<compile_context>
chip_gen: v7x
topology: tpu7x:2x2x1
jax: 0.10.2.dev20260603
libtpu: 0.0.44.dev20260713+nightly
codegen_flags: <defaults>
</compile_context>

<pallas_src>
import functools

import jax
import jax.numpy as jnp
from jax import lax
from jax.experimental import pallas as pl
from jax.experimental.pallas import tpu as pltpu
from jax.experimental.pallas import tpu_sc as plsc

VOCAB = 50257
EMBED = 768
B = 128
L = 512

NC = 2
NS = 16
NW = NC * NS
N = B * L
PER_W = N // NW
C = 64
NCH = PER_W // C

_mesh = plsc.VectorSubcoreMesh(
    core_axis_name="c", subcore_axis_name="s", num_cores=NC, num_subcores=NS
)


@functools.partial(
    pl.kernel,
    out_type=jax.ShapeDtypeStruct((NW, NCH, C, EMBED), jnp.float32),
    mesh=_mesh,
    scratch_types=[
        pltpu.VMEM((NCH, C), jnp.int32),
        pltpu.VMEM((2, C, EMBED), jnp.float32),
        pltpu.SemaphoreType.DMA,
        pltpu.SemaphoreType.DMA,
    ],
)
def _gather_kernel(ids_hbm, wte_hbm, out_hbm, idx_v, rows_v, sem0, sem1):
    wid = lax.axis_index("s") * NC + lax.axis_index("c")
    pltpu.sync_copy(ids_hbm.at[wid], idx_v)
    sems = (sem0, sem1)

    pltpu.async_copy(wte_hbm.at[idx_v.at[0]], rows_v.at[0], sem0)
    pltpu.async_copy(wte_hbm.at[idx_v.at[1]], rows_v.at[1], sem1)

    @pl.loop(0, NCH - 2, step=2)
    def _steady(cc):
        for b in range(2):
            c = cc + b
            pltpu.make_async_copy(
                wte_hbm.at[pl.ds(0, C)], rows_v.at[b], sems[b]
            ).wait()
            pltpu.sync_copy(rows_v.at[b], out_hbm.at[wid, c])
            pltpu.async_copy(wte_hbm.at[idx_v.at[c + 2]], rows_v.at[b], sems[b])

    for b in range(2):
        pltpu.make_async_copy(
            wte_hbm.at[pl.ds(0, C)], rows_v.at[b], sems[b]
        ).wait()
        pltpu.sync_copy(rows_v.at[b], out_hbm.at[wid, NCH - 2 + b])


def kernel(input_ids, attn_mask, wte):
    ids = input_ids.reshape(NW, NCH, C).astype(jnp.int32)
    out = _gather_kernel(ids, wte)
    return (out.reshape(B, L, EMBED), attn_mask)

# --- scband reference (transcript-rebuilt; emitter-appended) ---
"""Pipeline reference for scband-gpt2-word-embedding-13735305413068 (READ-ONLY COPY).

The authoritative reference and input builder live on the scoring server;
editing this copy changes nothing except your own understanding.
"""

import jax, jax.numpy as jnp
import numpy as np

VOCAB = 50257
EMBED = 768
B = 128
L = 512

def setup_inputs(seed: int = 0) -> dict:
    key = jax.random.key(seed)
    k1, k2 = jax.random.split(key)
    input_ids = jax.random.randint(k1, (B, L), 0, VOCAB, dtype=jnp.int64 if jax.config.jax_enable_x64 else jnp.int32).astype(jnp.int32)
    attn_mask = jnp.ones((B, L), dtype=jnp.int32)
    wte = jax.random.normal(k2, (VOCAB, EMBED), dtype=jnp.float32) * 0.02
    return {"input_ids": input_ids, "attn_mask": attn_mask, "wte": wte}

def reference(input_ids, attn_mask, wte):
    # GPT2WordEmbedding.forward: tokenization is preprocessing; the module's
    # compute is the wte embedding lookup, returning [input_embed, attn_mask].
    input_embed = jnp.take(wte, input_ids, axis=0)
    return (input_embed, attn_mask)

if __name__ == "__main__":
    import jax
    _d = setup_inputs()
    print(jax.jit(kernel)(*tuple(_d.values())))

</pallas_src>

<mosaic_0001>
#map = affine_map<(d0, d1) -> (0, 0, 0)>
#map1 = affine_map<(d0, d1) -> (0, 0)>
#map2 = affine_map<(d0, d1) -> (0, 0, 0, 0)>
module attributes {stable_mosaic.version = 14 : i64} {
  func.func @_gather_kernel(%arg0: i32, %arg1: i32, %arg2: memref<32x32x64xi32, #tpu.memory_space<hbm>>, %arg3: memref<50257x768xf32, #tpu.memory_space<hbm>>, %arg4: memref<32x32x64x768xf32, #tpu.memory_space<hbm>>, %arg5: memref<32x64xi32, #tpu.memory_space<vmem>>, %arg6: memref<2x64x768xf32, #tpu.memory_space<vmem>>, %arg7: memref<!tpu.dma_semaphore, #tpu.memory_space<semaphore_mem>>, %arg8: memref<!tpu.dma_semaphore, #tpu.memory_space<semaphore_mem>>) attributes {dimension_semantics = [#tpu.dimension_semantics<core_parallel>, #tpu.dimension_semantics<subcore_parallel>], iteration_bounds = array<i64: 2, 16>, scalar_prefetch = 0 : i64, scratch_operands = 4 : i64, tpu.core_type = #tpu.core_type<sc_vector_subcore>, window_params = [{transform_indices = #map}, {transform_indices = #map1}, {transform_indices = #map2}]} {
    %mul3A = arith.constant 2 : i32
    %mul3A_0 = arith.muli %arg1, %mul3A : i32
    %add3A = arith.addi %mul3A_0, %arg0 : i32
    "tpu.region"() ({
      %run_scoped3A_60 = tpu.sem_alloc : memref<!tpu.dma_semaphore, #tpu.memory_space<semaphore_mem>>
      %dma_start3A_61 = arith.constant 0 : i32
      %dma_start3A_62 = arith.constant 0 : i32
      %dma_start3A_63 = tpu.memref_slice %arg2[%add3A, %dma_start3A_61, %dma_start3A_62] : memref<32x32x64xi32, #tpu.memory_space<hbm>> -> memref<1x32x64xi32, #tpu.memory_space<hbm>>
      %dma_start3A_64 = tpu.memref_squeeze %dma_start3A_63 : memref<1x32x64xi32, #tpu.memory_space<hbm>> -> memref<32x64xi32, #tpu.memory_space<hbm>>
      %dma_start3A_65 = arith.constant 0 : i32
      %dma_start3A_66 = arith.constant 0 : i32
      %dma_start3A_67 = tpu.memref_slice %arg2[%add3A, %dma_start3A_65, %dma_start3A_66] : memref<32x32x64xi32, #tpu.memory_space<hbm>> -> memref<1x32x64xi32, #tpu.memory_space<hbm>>
      %dma_start3A_68 = tpu.memref_squeeze %dma_start3A_67 : memref<1x32x64xi32, #tpu.memory_space<hbm>> -> memref<32x64xi32, #tpu.memory_space<hbm>>
      tpu.enqueue_dma source(%dma_start3A_68 : memref<32x64xi32, #tpu.memory_space<hbm>>) target(%arg5 : memref<32x64xi32, #tpu.memory_space<vmem>>) target_semaphore(%run_scoped3A_60 : memref<!tpu.dma_semaphore, #tpu.memory_space<semaphore_mem>>)
      %dma_wait3A_69 = arith.constant 0 : i32
      %dma_wait3A_70 = arith.constant 0 : i32
      %dma_wait3A_71 = tpu.memref_slice %arg2[%add3A, %dma_wait3A_69, %dma_wait3A_70] : memref<32x32x64xi32, #tpu.memory_space<hbm>> -> memref<1x32x64xi32, #tpu.memory_space<hbm>>
      %dma_wait3A_72 = tpu.memref_squeeze %dma_wait3A_71 : memref<1x32x64xi32, #tpu.memory_space<hbm>> -> memref<32x64xi32, #tpu.memory_space<hbm>>
      %dma_wait3A_73 = arith.constant 0 : i32
      %dma_wait3A_74 = arith.constant 0 : i32
      %dma_wait3A_75 = tpu.memref_slice %arg2[%add3A, %dma_wait3A_73, %dma_wait3A_74] : memref<32x32x64xi32, #tpu.memory_space<hbm>> -> memref<1x32x64xi32, #tpu.memory_space<hbm>>
      %dma_wait3A_76 = tpu.memref_squeeze %dma_wait3A_75 : memref<1x32x64xi32, #tpu.memory_space<hbm>> -> memref<32x64xi32, #tpu.memory_space<hbm>>
      tpu.wait_dma2 semaphore(%run_scoped3A_60 : memref<!tpu.dma_semaphore, #tpu.memory_space<semaphore_mem>>) src(%dma_wait3A_76 : memref<32x64xi32, #tpu.memory_space<hbm>>) dst(%arg5 : memref<32x64xi32, #tpu.memory_space<vmem>>)
      tpu.yield
    }) : () -> ()
    %dma_start3A = arith.constant 0 : i32
    %dma_start3A_1 = arith.constant 0 : i32
    %dma_start3A_2 = arith.constant 0 : i32
    %dma_start3A_3 = arith.constant 0 : i32
    %dma_start3A_4 = tpu.memref_slice %arg6[%dma_start3A_1, %dma_start3A_2, %dma_start3A_3] : memref<2x64x768xf32, #tpu.memory_space<vmem>> -> memref<1x64x768xf32, #tpu.memory_space<vmem>>
    %dma_start3A_5 = tpu.memref_squeeze %dma_start3A_4 : memref<1x64x768xf32, #tpu.memory_space<vmem>> -> memref<64x768xf32, #tpu.memory_space<vmem>>
    %dma_start3A_6 = arith.constant 0 : i32
    %dma_start3A_7 = tpu.memref_slice %arg5[%dma_start3A, %dma_start3A_6] : memref<32x64xi32, #tpu.memory_space<vmem>> -> memref<1x64xi32, #tpu.memory_space<vmem>>
    %dma_start3A_8 = tpu.memref_squeeze %dma_start3A_7 : memref<1x64xi32, #tpu.memory_space<vmem>> -> memref<64xi32, #tpu.memory_space<vmem>>
    %dma_start3A_9 = arith.constant 0 : i32
    %dma_start3A_10 = arith.constant 0 : i32
    %dma_start3A_11 = tpu.memref_slice %arg3[%dma_start3A_9, %dma_start3A_10] : memref<50257x768xf32, #tpu.memory_space<hbm>> -> memref<50257x768xf32, #tpu.memory_space<hbm>>
    tpu.enqueue_indirect_dma source(%dma_start3A_11 : memref<50257x768xf32, #tpu.memory_space<hbm>>) target(%dma_start3A_5 : memref<64x768xf32, #tpu.memory_space<vmem>>) offsets(%dma_start3A_8 : memref<64xi32, #tpu.memory_space<vmem>>) semaphore(%arg7 : memref<!tpu.dma_semaphore, #tpu.memory_space<semaphore_mem>>)
    %dma_start3A_12 = arith.constant 1 : i32
    %dma_start3A_13 = arith.constant 1 : i32
    %dma_start3A_14 = arith.constant 0 : i32
    %dma_start3A_15 = arith.constant 0 : i32
    %dma_start3A_16 = tpu.memref_slice %arg6[%dma_start3A_13, %dma_start3A_14, %dma_start3A_15] : memref<2x64x768xf32, #tpu.memory_space<vmem>> -> memref<1x64x768xf32, #tpu.memory_space<vmem>>
    %dma_start3A_17 = tpu.memref_squeeze %dma_start3A_16 : memref<1x64x768xf32, #tpu.memory_space<vmem>> -> memref<64x768xf32, #tpu.memory_space<vmem>>
    %dma_start3A_18 = arith.constant 0 : i32
    %dma_start3A_19 = tpu.memref_slice %arg5[%dma_start3A_12, %dma_start3A_18] : memref<32x64xi32, #tpu.memory_space<vmem>> -> memref<1x64xi32, #tpu.memory_space<vmem>>
    %dma_start3A_20 = tpu.memref_squeeze %dma_start3A_19 : memref<1x64xi32, #tpu.memory_space<vmem>> -> memref<64xi32, #tpu.memory_space<vmem>>
    %dma_start3A_21 = arith.constant 0 : i32
    %dma_start3A_22 = arith.constant 0 : i32
    %dma_start3A_23 = tpu.memref_slice %arg3[%dma_start3A_21, %dma_start3A_22] : memref<50257x768xf32, #tpu.memory_space<hbm>> -> memref<50257x768xf32, #tpu.memory_space<hbm>>
    tpu.enqueue_indirect_dma source(%dma_start3A_23 : memref<50257x768xf32, #tpu.memory_space<hbm>>) target(%dma_start3A_17 : memref<64x768xf32, #tpu.memory_space<vmem>>) offsets(%dma_start3A_20 : memref<64xi32, #tpu.memory_space<vmem>>) semaphore(%arg8 : memref<!tpu.dma_semaphore, #tpu.memory_space<semaphore_mem>>)
    %scan3A = arith.constant 0 : i32
    %scan3A_24 = arith.constant 15 : i32
    %scan3A_25 = arith.addi %scan3A, %scan3A_24 : i32
    %scan3A_26 = arith.constant 1 : i32
    scf.for %scan3A_60 = %scan3A to %scan3A_25 step %scan3A_26  : i32 {
      %mul3A_61 = arith.constant 2 : i32
      %mul3A_62 = arith.muli %scan3A_60, %mul3A_61 : i32
      %add3A_63 = arith.constant 0 : i32
      %add3A_64 = arith.addi %add3A_63, %mul3A_62 : i32
      %add3A_65 = arith.constant 0 : i32
      %add3A_66 = arith.addi %add3A_64, %add3A_65 : i32
      %dma_wait3A_67 = arith.constant 0 : i32
      %dma_wait3A_68 = arith.constant 0 : i32
      %dma_wait3A_69 = arith.constant 0 : i32
      %dma_wait3A_70 = tpu.memref_slice %arg6[%dma_wait3A_67, %dma_wait3A_68, %dma_wait3A_69] : memref<2x64x768xf32, #tpu.memory_space<vmem>> -> memref<1x64x768xf32, #tpu.memory_space<vmem>>
      %dma_wait3A_71 = tpu.memref_squeeze %dma_wait3A_70 : memref<1x64x768xf32, #tpu.memory_space<vmem>> -> memref<64x768xf32, #tpu.memory_space<vmem>>
      %dma_wait3A_72 = arith.constant 0 : i32
      %dma_wait3A_73 = arith.constant 0 : i32
      %dma_wait3A_74 = tpu.memref_slice %arg3[%dma_wait3A_72, %dma_wait3A_73] : memref<50257x768xf32, #tpu.memory_space<hbm>> -> memref<64x768xf32, #tpu.memory_space<hbm>>
      %dma_wait3A_75 = arith.constant 0 : i32
      %dma_wait3A_76 = arith.constant 0 : i32
      %dma_wait3A_77 = tpu.memref_slice %arg6[%dma_wait3A_67, %dma_wait3A_75, %dma_wait3A_76] : memref<2x64x768xf32, #tpu.memory_space<vmem>> -> memref<1x64x768xf32, #tpu.memory_space<vmem>>
      %dma_wait3A_78 = tpu.memref_squeeze %dma_wait3A_77 : memref<1x64x768xf32, #tpu.memory_space<vmem>> -> memref<64x768xf32, #tpu.memory_space<vmem>>
      %dma_wait3A_79 = arith.constant 0 : i32
      %dma_wait3A_80 = arith.constant 0 : i32
      %dma_wait3A_81 = tpu.memref_slice %arg3[%dma_wait3A_79, %dma_wait3A_80] : memref<50257x768xf32, #tpu.memory_space<hbm>> -> memref<64x768xf32, #tpu.memory_space<hbm>>
      tpu.wait_dma2 semaphore(%arg7 : memref<!tpu.dma_semaphore, #tpu.memory_space<semaphore_mem>>) src(%dma_wait3A_81 : memref<64x768xf32, #tpu.memory_space<hbm>>) dst(%dma_wait3A_78 : memref<64x768xf32, #tpu.memory_space<vmem>>)
      %run_scoped3A_82 = arith.constant 0 : i32
      "tpu.region"() ({
        %run_scoped3A_127 = tpu.sem_alloc : memref<!tpu.dma_semaphore, #tpu.memory_space<semaphore_mem>>
        %dma_start3A_128 = arith.constant 0 : i32
        %dma_start3A_129 = arith.constant 0 : i32
        %dma_start3A_130 = tpu.memref_slice %arg6[%run_scoped3A_82, %dma_start3A_128, %dma_start3A_129] : memref<2x64x768xf32, #tpu.memory_space<vmem>> -> memref<1x64x768xf32, #tpu.memory_space<vmem>>
        %dma_start3A_131 = tpu.memref_squeeze %dma_start3A_130 : memref<1x64x768xf32, #tpu.memory_space<vmem>> -> memref<64x768xf32, #tpu.memory_space<vmem>>
        %dma_start3A_132 = arith.constant 0 : i32
        %dma_start3A_133 = arith.constant 0 : i32
        %dma_start3A_134 = tpu.memref_slice %arg4[%add3A, %add3A_66, %dma_start3A_132, %dma_start3A_133] : memref<32x32x64x768xf32, #tpu.memory_space<hbm>> -> memref<1x1x64x768xf32, #tpu.memory_space<hbm>>
        %dma_start3A_135 = tpu.memref_squeeze %dma_start3A_134 : memref<1x1x64x768xf32, #tpu.memory_space<hbm>> -> memref<64x768xf32, #tpu.memory_space<hbm>>
        %dma_start3A_136 = arith.constant 0 : i32
        %dma_start3A_137 = arith.constant 0 : i32
        %dma_start3A_138 = tpu.memref_slice %arg4[%add3A, %add3A_66, %dma_start3A_136, %dma_start3A_137] : memref<32x32x64x768xf32, #tpu.memory_space<hbm>> -> memref<1x1x64x768xf32, #tpu.memory_space<hbm>>
        %dma_start3A_139 = tpu.memref_squeeze %dma_start3A_138 : memref<1x1x64x768xf32, #tpu.memory_space<hbm>> -> memref<64x768xf32, #tpu.memory_space<hbm>>
        %dma_start3A_140 = arith.constant 0 : i32
        %dma_start3A_141 = arith.constant 0 : i32
        %dma_start3A_142 = tpu.memref_slice %arg6[%run_scoped3A_82, %dma_start3A_140, %dma_start3A_141] : memref<2x64x768xf32, #tpu.memory_space<vmem>> -> memref<1x64x768xf32, #tpu.memory_space<vmem>>
        %dma_start3A_143 = tpu.memref_squeeze %dma_start3A_142 : memref<1x64x768xf32, #tpu.memory_space<vmem>> -> memref<64x768xf32, #tpu.memory_space<vmem>>
        tpu.enqueue_dma source(%dma_start3A_143 : memref<64x768xf32, #tpu.memory_space<vmem>>) target(%dma_start3A_139 : memref<64x768xf32, #tpu.memory_space<hbm>>) target_semaphore(%run_scoped3A_127 : memref<!tpu.dma_semaphore, #tpu.memory_space<semaphore_mem>>)
        %dma_wait3A_144 = arith.constant 0 : i32
        %dma_wait3A_145 = arith.constant 0 : i32
        %dma_wait3A_146 = tpu.memref_slice %arg6[%run_scoped3A_82, %dma_wait3A_144, %dma_wait3A_145] : memref<2x64x768xf32, #tpu.memory_space<vmem>> -> memref<1x64x768xf32, #tpu.memory_space<vmem>>
        %dma_wait3A_147 = tpu.memref_squeeze %dma_wait3A_146 : memref<1x64x768xf32, #tpu.memory_space<vmem>> -> memref<64x768xf32, #tpu.memory_space<vmem>>
        %dma_wait3A_148 = arith.constant 0 : i32
        %dma_wait3A_149 = arith.constant 0 : i32
        %dma_wait3A_150 = tpu.memref_slice %arg4[%add3A, %add3A_66, %dma_wait3A_148, %dma_wait3A_149] : memref<32x32x64x768xf32, #tpu.memory_space<hbm>> -> memref<1x1x64x768xf32, #tpu.memory_space<hbm>>
        %dma_wait3A_151 = tpu.memref_squeeze %dma_wait3A_150 : memref<1x1x64x768xf32, #tpu.memory_space<hbm>> -> memref<64x768xf32, #tpu.memory_space<hbm>>
        %dma_wait3A_152 = arith.constant 0 : i32
        %dma_wait3A_153 = arith.constant 0 : i32
        %dma_wait3A_154 = tpu.memref_slice %arg4[%add3A, %add3A_66, %dma_wait3A_152, %dma_wait3A_153] : memref<32x32x64x768xf32, #tpu.memory_space<hbm>> -> memref<1x1x64x768xf32, #tpu.memory_space<hbm>>
        %dma_wait3A_155 = tpu.memref_squeeze %dma_wait3A_154 : memref<1x1x64x768xf32, #tpu.memory_space<hbm>> -> memref<64x768xf32, #tpu.memory_space<hbm>>
        %dma_wait3A_156 = arith.constant 0 : i32
        %dma_wait3A_157 = arith.constant 0 : i32
        %dma_wait3A_158 = tpu.memref_slice %arg6[%run_scoped3A_82, %dma_wait3A_156, %dma_wait3A_157] : memref<2x64x768xf32, #tpu.memory_space<vmem>> -> memref<1x64x768xf32, #tpu.memory_space<vmem>>
        %dma_wait3A_159 = tpu.memref_squeeze %dma_wait3A_158 : memref<1x64x768xf32, #tpu.memory_space<vmem>> -> memref<64x768xf32, #tpu.memory_space<vmem>>
        tpu.wait_dma2 semaphore(%run_scoped3A_127 : memref<!tpu.dma_semaphore, #tpu.memory_space<semaphore_mem>>) src(%dma_wait3A_159 : memref<64x768xf32, #tpu.memory_space<vmem>>) dst(%dma_wait3A_155 : memref<64x768xf32, #tpu.memory_space<hbm>>)
        tpu.yield
      }) : () -> ()
      %add3A_83 = arith.constant 2 : i32
      %add3A_84 = arith.addi %add3A_66, %add3A_83 : i32
      %dma_start3A_85 = arith.constant 0 : i32
      %dma_start3A_86 = arith.constant 0 : i32
      %dma_start3A_87 = arith.constant 0 : i32
      %dma_start3A_88 = tpu.memref_slice %arg6[%dma_start3A_85, %dma_start3A_86, %dma_start3A_87] : memref<2x64x768xf32, #tpu.memory_space<vmem>> -> memref<1x64x768xf32, #tpu.memory_space<vmem>>
      %dma_start3A_89 = tpu.memref_squeeze %dma_start3A_88 : memref<1x64x768xf32, #tpu.memory_space<vmem>> -> memref<64x768xf32, #tpu.memory_space<vmem>>
      %dma_start3A_90 = arith.constant 0 : i32
      %dma_start3A_91 = tpu.memref_slice %arg5[%add3A_84, %dma_start3A_90] : memref<32x64xi32, #tpu.memory_space<vmem>> -> memref<1x64xi32, #tpu.memory_space<vmem>>
      %dma_start3A_92 = tpu.memref_squeeze %dma_start3A_91 : memref<1x64xi32, #tpu.memory_space<vmem>> -> memref<64xi32, #tpu.memory_space<vmem>>
      %dma_start3A_93 = arith.constant 0 : i32
      %dma_start3A_94 = arith.constant 0 : i32
      %dma_start3A_95 = tpu.memref_slice %arg3[%dma_start3A_93, %dma_start3A_94] : memref<50257x768xf32, #tpu.memory_space<hbm>> -> memref<50257x768xf32, #tpu.memory_space<hbm>>
      tpu.enqueue_indirect_dma source(%dma_start3A_95 : memref<50257x768xf32, #tpu.memory_space<hbm>>) target(%dma_start3A_89 : memref<64x768xf32, #tpu.memory_space<vmem>>) offsets(%dma_start3A_92 : memref<64xi32, #tpu.memory_space<vmem>>) semaphore(%arg7 : memref<!tpu.dma_semaphore, #tpu.memory_space<semaphore_mem>>)
      %add3A_96 = arith.constant 1 : i32
      %add3A_97 = arith.addi %add3A_64, %add3A_96 : i32
      %dma_wait3A_98 = arith.constant 1 : i32
      %dma_wait3A_99 = arith.constant 0 : i32
      %dma_wait3A_100 = arith.constant 0 : i32
      %dma_wait3A_101 = tpu.memref_slice %arg6[%dma_wait3A_98, %dma_wait3A_99, %dma_wait3A_100] : memref<2x64x768xf32, #tpu.memory_space<vmem>> -> memref<1x64x768xf32, #tpu.memory_space<vmem>>
      %dma_wait3A_102 = tpu.memref_squeeze %dma_wait3A_101 : memref<1x64x768xf32, #tpu.memory_space<vmem>> -> memref<64x768xf32, #tpu.memory_space<vmem>>
      %dma_wait3A_103 = arith.constant 0 : i32
      %dma_wait3A_104 = arith.constant 0 : i32
      %dma_wait3A_105 = tpu.memref_slice %arg3[%dma_wait3A_103, %dma_wait3A_104] : memref<50257x768xf32, #tpu.memory_space<hbm>> -> memref<64x768xf32, #tpu.memory_space<hbm>>
      %dma_wait3A_106 = arith.constant 0 : i32
      %dma_wait3A_107 = arith.constant 0 : i32
      %dma_wait3A_108 = tpu.memref_slice %arg6[%dma_wait3A_98, %dma_wait3A_106, %dma_wait3A_107] : memref<2x64x768xf32, #tpu.memory_space<vmem>> -> memref<1x64x768xf32, #tpu.memory_space<vmem>>
      %dma_wait3A_109 = tpu.memref_squeeze %dma_wait3A_108 : memref<1x64x768xf32, #tpu.memory_space<vmem>> -> memref<64x768xf32, #tpu.memory_space<vmem>>
      %dma_wait3A_110 = arith.constant 0 : i32
      %dma_wait3A_111 = arith.constant 0 : i32
      %dma_wait3A_112 = tpu.memref_slice %arg3[%dma_wait3A_110, %dma_wait3A_111] : memref<50257x768xf32, #tpu.memory_space<hbm>> -> memref<64x768xf32, #tpu.memory_space<hbm>>
      tpu.wait_dma2 semaphore(%arg8 : memref<!tpu.dma_semaphore, #tpu.memory_space<semaphore_mem>>) src(%dma_wait3A_112 : memref<64x768xf32, #tpu.memory_space<hbm>>) dst(%dma_wait3A_109 : memref<64x768xf32, #tpu.memory_space<vmem>>)
      %run_scoped3A_113 = arith.constant 1 : i32
      "tpu.region"() ({
        %run_scoped3A_127 = tpu.sem_alloc : memref<!tpu.dma_semaphore, #tpu.memory_space<semaphore_mem>>
        %dma_start3A_128 = arith.constant 0 : i32
        %dma_start3A_129 = arith.constant 0 : i32
        %dma_start3A_130 = tpu.memref_slice %arg6[%run_scoped3A_113, %dma_start3A_128, %dma_start3A_129] : memref<2x64x768xf32, #tpu.memory_space<vmem>> -> memref<1x64x768xf32, #tpu.memory_space<vmem>>
        %dma_start3A_131 = tpu.memref_squeeze %dma_start3A_130 : memref<1x64x768xf32, #tpu.memory_space<vmem>> -> memref<64x768xf32, #tpu.memory_space<vmem>>
        %dma_start3A_132 = arith.constant 0 : i32
        %dma_start3A_133 = arith.constant 0 : i32
        %dma_start3A_134 = tpu.memref_slice %arg4[%add3A, %add3A_97, %dma_start3A_132, %dma_start3A_133] : memref<32x32x64x768xf32, #tpu.memory_space<hbm>> -> memref<1x1x64x768xf32, #tpu.memory_space<hbm>>
        %dma_start3A_135 = tpu.memref_squeeze %dma_start3A_134 : memref<1x1x64x768xf32, #tpu.memory_space<hbm>> -> memref<64x768xf32, #tpu.memory_space<hbm>>
        %dma_start3A_136 = arith.constant 0 : i32
        %dma_start3A_137 = arith.constant 0 : i32
        %dma_start3A_138 = tpu.memref_slice %arg4[%add3A, %add3A_97, %dma_start3A_136, %dma_start3A_137] : memref<32x32x64x768xf32, #tpu.memory_space<hbm>> -> memref<1x1x64x768xf32, #tpu.memory_space<hbm>>
        %dma_start3A_139 = tpu.memref_squeeze %dma_start3A_138 : memref<1x1x64x768xf32, #tpu.memory_space<hbm>> -> memref<64x768xf32, #tpu.memory_space<hbm>>
        %dma_start3A_140 = arith.constant 0 : i32
        %dma_start3A_141 = arith.constant 0 : i32
        %dma_start3A_142 = tpu.memref_slice %arg6[%run_scoped3A_113, %dma_start3A_140, %dma_start3A_141] : memref<2x64x768xf32, #tpu.memory_space<vmem>> -> memref<1x64x768xf32, #tpu.memory_space<vmem>>
        %dma_start3A_143 = tpu.memref_squeeze %dma_start3A_142 : memref<1x64x768xf32, #tpu.memory_space<vmem>> -> memref<64x768xf32, #tpu.memory_space<vmem>>
        tpu.enqueue_dma source(%dma_start3A_143 : memref<64x768xf32, #tpu.memory_space<vmem>>) target(%dma_start3A_139 : memref<64x768xf32, #tpu.memory_space<hbm>>) target_semaphore(%run_scoped3A_127 : memref<!tpu.dma_semaphore, #tpu.memory_space<semaphore_mem>>)
        %dma_wait3A_144 = arith.constant 0 : i32
        %dma_wait3A_145 = arith.constant 0 : i32
        %dma_wait3A_146 = tpu.memref_slice %arg6[%run_scoped3A_113, %dma_wait3A_144, %dma_wait3A_145] : memref<2x64x768xf32, #tpu.memory_space<vmem>> -> memref<1x64x768xf32, #tpu.memory_space<vmem>>
        %dma_wait3A_147 = tpu.memref_squeeze %dma_wait3A_146 : memref<1x64x768xf32, #tpu.memory_space<vmem>> -> memref<64x768xf32, #tpu.memory_space<vmem>>
        %dma_wait3A_148 = arith.constant 0 : i32
        %dma_wait3A_149 = arith.constant 0 : i32
        %dma_wait3A_150 = tpu.memref_slice %arg4[%add3A, %add3A_97, %dma_wait3A_148, %dma_wait3A_149] : memref<32x32x64x768xf32, #tpu.memory_space<hbm>> -> memref<1x1x64x768xf32, #tpu.memory_space<hbm>>
        %dma_wait3A_151 = tpu.memref_squeeze %dma_wait3A_150 : memref<1x1x64x768xf32, #tpu.memory_space<hbm>> -> memref<64x768xf32, #tpu.memory_space<hbm>>
        %dma_wait3A_152 = arith.constant 0 : i32
        %dma_wait3A_153 = arith.constant 0 : i32
        %dma_wait3A_154 = tpu.memref_slice %arg4[%add3A, %add3A_97, %dma_wait3A_152, %dma_wait3A_153] : memref<32x32x64x768xf32, #tpu.memory_space<hbm>> -> memref<1x1x64x768xf32, #tpu.memory_space<hbm>>
        %dma_wait3A_155 = tpu.memref_squeeze %dma_wait3A_154 : memref<1x1x64x768xf32, #tpu.memory_space<hbm>> -> memref<64x768xf32, #tpu.memory_space<hbm>>
        %dma_wait3A_156 = arith.constant 0 : i32
        %dma_wait3A_157 = arith.constant 0 : i32
        %dma_wait3A_158 = tpu.memref_slice %arg6[%run_scoped3A_113, %dma_wait3A_156, %dma_wait3A_157] : memref<2x64x768xf32, #tpu.memory_space<vmem>> -> memref<1x64x768xf32, #tpu.memory_space<vmem>>
        %dma_wait3A_159 = tpu.memref_squeeze %dma_wait3A_158 : memref<1x64x768xf32, #tpu.memory_space<vmem>> -> memref<64x768xf32, #tpu.memory_space<vmem>>
        tpu.wait_dma2 semaphore(%run_scoped3A_127 : memref<!tpu.dma_semaphore, #tpu.memory_space<semaphore_mem>>) src(%dma_wait3A_159 : memref<64x768xf32, #tpu.memory_space<vmem>>) dst(%dma_wait3A_155 : memref<64x768xf32, #tpu.memory_space<hbm>>)
        tpu.yield
      }) : () -> ()
      %add3A_114 = arith.constant 2 : i32
      %add3A_115 = arith.addi %add3A_97, %add3A_114 : i32
      %dma_start3A_116 = arith.constant 1 : i32
      %dma_start3A_117 = arith.constant 0 : i32
      %dma_start3A_118 = arith.constant 0 : i32
      %dma_start3A_119 = tpu.memref_slice %arg6[%dma_start3A_116, %dma_start3A_117, %dma_start3A_118] : memref<2x64x768xf32, #tpu.memory_space<vmem>> -> memref<1x64x768xf32, #tpu.memory_space<vmem>>
      %dma_start3A_120 = tpu.memref_squeeze %dma_start3A_119 : memref<1x64x768xf32, #tpu.memory_space<vmem>> -> memref<64x768xf32, #tpu.memory_space<vmem>>
      %dma_start3A_121 = arith.constant 0 : i32
      %dma_start3A_122 = tpu.memref_slice %arg5[%add3A_115, %dma_start3A_121] : memref<32x64xi32, #tpu.memory_space<vmem>> -> memref<1x64xi32, #tpu.memory_space<vmem>>
      %dma_start3A_123 = tpu.memref_squeeze %dma_start3A_122 : memref<1x64xi32, #tpu.memory_space<vmem>> -> memref<64xi32, #tpu.memory_space<vmem>>
      %dma_start3A_124 = arith.constant 0 : i32
      %dma_start3A_125 = arith.constant 0 : i32
      %dma_start3A_126 = tpu.memref_slice %arg3[%dma_start3A_124, %dma_start3A_125] : memref<50257x768xf32, #tpu.memory_space<hbm>> -> memref<50257x768xf32, #tpu.memory_space<hbm>>
      tpu.enqueue_indirect_dma source(%dma_start3A_126 : memref<50257x768xf32, #tpu.memory_space<hbm>>) target(%dma_start3A_120 : memref<64x768xf32, #tpu.memory_space<vmem>>) offsets(%dma_start3A_123 : memref<64xi32, #tpu.memory_space<vmem>>) semaphore(%arg8 : memref<!tpu.dma_semaphore, #tpu.memory_space<semaphore_mem>>)
    }
    %scan3A_27 = arith.constant 15 : i32
    %dma_wait3A = arith.constant 0 : i32
    %dma_wait3A_28 = arith.constant 0 : i32
    %dma_wait3A_29 = arith.constant 0 : i32
    %dma_wait3A_30 = tpu.memref_slice %arg6[%dma_wait3A, %dma_wait3A_28, %dma_wait3A_29] : memref<2x64x768xf32, #tpu.memory_space<vmem>> -> memref<1x64x768xf32, #tpu.memory_space<vmem>>
    %dma_wait3A_31 = tpu.memref_squeeze %dma_wait3A_30 : memref<1x64x768xf32, #tpu.memory_space<vmem>> -> memref<64x768xf32, #tpu.memory_space<vmem>>
    %dma_wait3A_32 = arith.constant 0 : i32
    %dma_wait3A_33 = arith.constant 0 : i32
    %dma_wait3A_34 = tpu.memref_slice %arg3[%dma_wait3A_32, %dma_wait3A_33] : memref<50257x768xf32, #tpu.memory_space<hbm>> -> memref<64x768xf32, #tpu.memory_space<hbm>>
    %dma_wait3A_35 = arith.constant 0 : i32
    %dma_wait3A_36 = arith.constant 0 : i32
    %dma_wait3A_37 = tpu.memref_slice %arg6[%dma_wait3A, %dma_wait3A_35, %dma_wait3A_36] : memref<2x64x768xf32, #tpu.memory_space<vmem>> -> memref<1x64x768xf32, #tpu.memory_space<vmem>>
    %dma_wait3A_38 = tpu.memref_squeeze %dma_wait3A_37 : memref<1x64x768xf32, #tpu.memory_space<vmem>> -> memref<64x768xf32, #tpu.memory_space<vmem>>
    %dma_wait3A_39 = arith.constant 0 : i32
    %dma_wait3A_40 = arith.constant 0 : i32
    %dma_wait3A_41 = tpu.memref_slice %arg3[%dma_wait3A_39, %dma_wait3A_40] : memref<50257x768xf32, #tpu.memory_space<hbm>> -> memref<64x768xf32, #tpu.memory_space<hbm>>
    tpu.wait_dma2 semaphore(%arg7 : memref<!tpu.dma_semaphore, #tpu.memory_space<semaphore_mem>>) src(%dma_wait3A_41 : memref<64x768xf32, #tpu.memory_space<hbm>>) dst(%dma_wait3A_38 : memref<64x768xf32, #tpu.memory_space<vmem>>)
    %run_scoped3A = arith.constant 0 : i32
    %run_scoped3A_42 = arith.constant 30 : i32
    "tpu.region"() ({
      %run_scoped3A_60 = tpu.sem_alloc : memref<!tpu.dma_semaphore, #tpu.memory_space<semaphore_mem>>
      %dma_start3A_61 = arith.constant 0 : i32
      %dma_start3A_62 = arith.constant 0 : i32
      %dma_start3A_63 = tpu.memref_slice %arg6[%run_scoped3A, %dma_start3A_61, %dma_start3A_62] : memref<2x64x768xf32, #tpu.memory_space<vmem>> -> memref<1x64x768xf32, #tpu.memory_space<vmem>>
      %dma_start3A_64 = tpu.memref_squeeze %dma_start3A_63 : memref<1x64x768xf32, #tpu.memory_space<vmem>> -> memref<64x768xf32, #tpu.memory_space<vmem>>
      %dma_start3A_65 = arith.constant 0 : i32
      %dma_start3A_66 = arith.constant 0 : i32
      %dma_start3A_67 = tpu.memref_slice %arg4[%add3A, %run_scoped3A_42, %dma_start3A_65, %dma_start3A_66] : memref<32x32x64x768xf32, #tpu.memory_space<hbm>> -> memref<1x1x64x768xf32, #tpu.memory_space<hbm>>
      %dma_start3A_68 = tpu.memref_squeeze %dma_start3A_67 : memref<1x1x64x768xf32, #tpu.memory_space<hbm>> -> memref<64x768xf32, #tpu.memory_space<hbm>>
      %dma_start3A_69 = arith.constant 0 : i32
      %dma_start3A_70 = arith.constant 0 : i32
      %dma_start3A_71 = tpu.memref_slice %arg4[%add3A, %run_scoped3A_42, %dma_start3A_69, %dma_start3A_70] : memref<32x32x64x768xf32, #tpu.memory_space<hbm>> -> memref<1x1x64x768xf32, #tpu.memory_space<hbm>>
      %dma_start3A_72 = tpu.memref_squeeze %dma_start3A_71 : memref<1x1x64x768xf32, #tpu.memory_space<hbm>> -> memref<64x768xf32, #tpu.memory_space<hbm>>
      %dma_start3A_73 = arith.constant 0 : i32
      %dma_start3A_74 = arith.constant 0 : i32
      %dma_start3A_75 = tpu.memref_slice %arg6[%run_scoped3A, %dma_start3A_73, %dma_start3A_74] : memref<2x64x768xf32, #tpu.memory_space<vmem>> -> memref<1x64x768xf32, #tpu.memory_space<vmem>>
      %dma_start3A_76 = tpu.memref_squeeze %dma_start3A_75 : memref<1x64x768xf32, #tpu.memory_space<vmem>> -> memref<64x768xf32, #tpu.memory_space<vmem>>
      tpu.enqueue_dma source(%dma_start3A_76 : memref<64x768xf32, #tpu.memory_space<vmem>>) target(%dma_start3A_72 : memref<64x768xf32, #tpu.memory_space<hbm>>) target_semaphore(%run_scoped3A_60 : memref<!tpu.dma_semaphore, #tpu.memory_space<semaphore_mem>>)
      %dma_wait3A_77 = arith.constant 0 : i32
      %dma_wait3A_78 = arith.constant 0 : i32
      %dma_wait3A_79 = tpu.memref_slice %arg6[%run_scoped3A, %dma_wait3A_77, %dma_wait3A_78] : memref<2x64x768xf32, #tpu.memory_space<vmem>> -> memref<1x64x768xf32, #tpu.memory_space<vmem>>
      %dma_wait3A_80 = tpu.memref_squeeze %dma_wait3A_79 : memref<1x64x768xf32, #tpu.memory_space<vmem>> -> memref<64x768xf32, #tpu.memory_space<vmem>>
      %dma_wait3A_81 = arith.constant 0 : i32
      %dma_wait3A_82 = arith.constant 0 : i32
      %dma_wait3A_83 = tpu.memref_slice %arg4[%add3A, %run_scoped3A_42, %dma_wait3A_81, %dma_wait3A_82] : memref<32x32x64x768xf32, #tpu.memory_space<hbm>> -> memref<1x1x64x768xf32, #tpu.memory_space<hbm>>
      %dma_wait3A_84 = tpu.memref_squeeze %dma_wait3A_83 : memref<1x1x64x768xf32, #tpu.memory_space<hbm>> -> memref<64x768xf32, #tpu.memory_space<hbm>>
      %dma_wait3A_85 = arith.constant 0 : i32
      %dma_wait3A_86 = arith.constant 0 : i32
      %dma_wait3A_87 = tpu.memref_slice %arg4[%add3A, %run_scoped3A_42, %dma_wait3A_85, %dma_wait3A_86] : memref<32x32x64x768xf32, #tpu.memory_space<hbm>> -> memref<1x1x64x768xf32, #tpu.memory_space<hbm>>
      %dma_wait3A_88 = tpu.memref_squeeze %dma_wait3A_87 : memref<1x1x64x768xf32, #tpu.memory_space<hbm>> -> memref<64x768xf32, #tpu.memory_space<hbm>>
      %dma_wait3A_89 = arith.constant 0 : i32
      %dma_wait3A_90 = arith.constant 0 : i32
      %dma_wait3A_91 = tpu.memref_slice %arg6[%run_scoped3A, %dma_wait3A_89, %dma_wait3A_90] : memref<2x64x768xf32, #tpu.memory_space<vmem>> -> memref<1x64x768xf32, #tpu.memory_space<vmem>>
      %dma_wait3A_92 = tpu.memref_squeeze %dma_wait3A_91 : memref<1x64x768xf32, #tpu.memory_space<vmem>> -> memref<64x768xf32, #tpu.memory_space<vmem>>
      tpu.wait_dma2 semaphore(%run_scoped3A_60 : memref<!tpu.dma_semaphore, #tpu.memory_space<semaphore_mem>>) src(%dma_wait3A_92 : memref<64x768xf32, #tpu.memory_space<vmem>>) dst(%dma_wait3A_88 : memref<64x768xf32, #tpu.memory_space<hbm>>)
      tpu.yield
    }) : () -> ()
    %dma_wait3A_43 = arith.constant 1 : i32
    %dma_wait3A_44 = arith.constant 0 : i32
    %dma_wait3A_45 = arith.constant 0 : i32
    %dma_wait3A_46 = tpu.memref_slice %arg6[%dma_wait3A_43, %dma_wait3A_44, %dma_wait3A_45] : memref<2x64x768xf32, #tpu.memory_space<vmem>> -> memref<1x64x768xf32, #tpu.memory_space<vmem>>
    %dma_wait3A_47 = tpu.memref_squeeze %dma_wait3A_46 : memref<1x64x768xf32, #tpu.memory_space<vmem>> -> memref<64x768xf32, #tpu.memory_space<vmem>>
    %dma_wait3A_48 = arith.constant 0 : i32
    %dma_wait3A_49 = arith.constant 0 : i32
    %dma_wait3A_50 = tpu.memref_slice %arg3[%dma_wait3A_48, %dma_wait3A_49] : memref<50257x768xf32, #tpu.memory_space<hbm>> -> memref<64x768xf32, #tpu.memory_space<hbm>>
    %dma_wait3A_51 = arith.constant 0 : i32
    %dma_wait3A_52 = arith.constant 0 : i32
    %dma_wait3A_53 = tpu.memref_slice %arg6[%dma_wait3A_43, %dma_wait3A_51, %dma_wait3A_52] : memref<2x64x768xf32, #tpu.memory_space<vmem>> -> memref<1x64x768xf32, #tpu.memory_space<vmem>>
    %dma_wait3A_54 = tpu.memref_squeeze %dma_wait3A_53 : memref<1x64x768xf32, #tpu.memory_space<vmem>> -> memref<64x768xf32, #tpu.memory_space<vmem>>
    %dma_wait3A_55 = arith.constant 0 : i32
    %dma_wait3A_56 = arith.constant 0 : i32
    %dma_wait3A_57 = tpu.memref_slice %arg3[%dma_wait3A_55, %dma_wait3A_56] : memref<50257x768xf32, #tpu.memory_space<hbm>> -> memref<64x768xf32, #tpu.memory_space<hbm>>
    tpu.wait_dma2 semaphore(%arg8 : memref<!tpu.dma_semaphore, #tpu.memory_space<semaphore_mem>>) src(%dma_wait3A_57 : memref<64x768xf32, #tpu.memory_space<hbm>>) dst(%dma_wait3A_54 : memref<64x768xf32, #tpu.memory_space<vmem>>)
    %run_scoped3A_58 = arith.constant 1 : i32
    %run_scoped3A_59 = arith.constant 31 : i32
    "tpu.region"() ({
      %run_scoped3A_60 = tpu.sem_alloc : memref<!tpu.dma_semaphore, #tpu.memory_space<semaphore_mem>>
      %dma_start3A_61 = arith.constant 0 : i32
      %dma_start3A_62 = arith.constant 0 : i32
      %dma_start3A_63 = tpu.memref_slice %arg6[%run_scoped3A_58, %dma_start3A_61, %dma_start3A_62] : memref<2x64x768xf32, #tpu.memory_space<vmem>> -> memref<1x64x768xf32, #tpu.memory_space<vmem>>
      %dma_start3A_64 = tpu.memref_squeeze %dma_start3A_63 : memref<1x64x768xf32, #tpu.memory_space<vmem>> -> memref<64x768xf32, #tpu.memory_space<vmem>>
      %dma_start3A_65 = arith.constant 0 : i32
      %dma_start3A_66 = arith.constant 0 : i32
      %dma_start3A_67 = tpu.memref_slice %arg4[%add3A, %run_scoped3A_59, %dma_start3A_65, %dma_start3A_66] : memref<32x32x64x768xf32, #tpu.memory_space<hbm>> -> memref<1x1x64x768xf32, #tpu.memory_space<hbm>>
      %dma_start3A_68 = tpu.memref_squeeze %dma_start3A_67 : memref<1x1x64x768xf32, #tpu.memory_space<hbm>> -> memref<64x768xf32, #tpu.memory_space<hbm>>
      %dma_start3A_69 = arith.constant 0 : i32
      %dma_start3A_70 = arith.constant 0 : i32
      %dma_start3A_71 = tpu.memref_slice %arg4[%add3A, %run_scoped3A_59, %dma_start3A_69, %dma_start3A_70] : memref<32x32x64x768xf32, #tpu.memory_space<hbm>> -> memref<1x1x64x768xf32, #tpu.memory_space<hbm>>
      %dma_start3A_72 = tpu.memref_squeeze %dma_start3A_71 : memref<1x1x64x768xf32, #tpu.memory_space<hbm>> -> memref<64x768xf32, #tpu.memory_space<hbm>>
      %dma_start3A_73 = arith.constant 0 : i32
      %dma_start3A_74 = arith.constant 0 : i32
      %dma_start3A_75 = tpu.memref_slice %arg6[%run_scoped3A_58, %dma_start3A_73, %dma_start3A_74] : memref<2x64x768xf32, #tpu.memory_space<vmem>> -> memref<1x64x768xf32, #tpu.memory_space<vmem>>
      %dma_start3A_76 = tpu.memref_squeeze %dma_start3A_75 : memref<1x64x768xf32, #tpu.memory_space<vmem>> -> memref<64x768xf32, #tpu.memory_space<vmem>>
      tpu.enqueue_dma source(%dma_start3A_76 : memref<64x768xf32, #tpu.memory_space<vmem>>) target(%dma_start3A_72 : memref<64x768xf32, #tpu.memory_space<hbm>>) target_semaphore(%run_scoped3A_60 : memref<!tpu.dma_semaphore, #tpu.memory_space<semaphore_mem>>)
      %dma_wait3A_77 = arith.constant 0 : i32
      %dma_wait3A_78 = arith.constant 0 : i32
      %dma_wait3A_79 = tpu.memref_slice %arg6[%run_scoped3A_58, %dma_wait3A_77, %dma_wait3A_78] : memref<2x64x768xf32, #tpu.memory_space<vmem>> -> memref<1x64x768xf32, #tpu.memory_space<vmem>>
      %dma_wait3A_80 = tpu.memref_squeeze %dma_wait3A_79 : memref<1x64x768xf32, #tpu.memory_space<vmem>> -> memref<64x768xf32, #tpu.memory_space<vmem>>
      %dma_wait3A_81 = arith.constant 0 : i32
      %dma_wait3A_82 = arith.constant 0 : i32
      %dma_wait3A_83 = tpu.memref_slice %arg4[%add3A, %run_scoped3A_59, %dma_wait3A_81, %dma_wait3A_82] : memref<32x32x64x768xf32, #tpu.memory_space<hbm>> -> memref<1x1x64x768xf32, #tpu.memory_space<hbm>>
      %dma_wait3A_84 = tpu.memref_squeeze %dma_wait3A_83 : memref<1x1x64x768xf32, #tpu.memory_space<hbm>> -> memref<64x768xf32, #tpu.memory_space<hbm>>
      %dma_wait3A_85 = arith.constant 0 : i32
      %dma_wait3A_86 = arith.constant 0 : i32
      %dma_wait3A_87 = tpu.memref_slice %arg4[%add3A, %run_scoped3A_59, %dma_wait3A_85, %dma_wait3A_86] : memref<32x32x64x768xf32, #tpu.memory_space<hbm>> -> memref<1x1x64x768xf32, #tpu.memory_space<hbm>>
      %dma_wait3A_88 = tpu.memref_squeeze %dma_wait3A_87 : memref<1x1x64x768xf32, #tpu.memory_space<hbm>> -> memref<64x768xf32, #tpu.memory_space<hbm>>
      %dma_wait3A_89 = arith.constant 0 : i32
      %dma_wait3A_90 = arith.constant 0 : i32
      %dma_wait3A_91 = tpu.memref_slice %arg6[%run_scoped3A_58, %dma_wait3A_89, %dma_wait3A_90] : memref<2x64x768xf32, #tpu.memory_space<vmem>> -> memref<1x64x768xf32, #tpu.memory_space<vmem>>
      %dma_wait3A_92 = tpu.memref_squeeze %dma_wait3A_91 : memref<1x64x768xf32, #tpu.memory_space<vmem>> -> memref<64x768xf32, #tpu.memory_space<vmem>>
      tpu.wait_dma2 semaphore(%run_scoped3A_60 : memref<!tpu.dma_semaphore, #tpu.memory_space<semaphore_mem>>) src(%dma_wait3A_92 : memref<64x768xf32, #tpu.memory_space<vmem>>) dst(%dma_wait3A_88 : memref<64x768xf32, #tpu.memory_space<hbm>>)
      tpu.yield
    }) : () -> ()
    return
  }
}

</mosaic_0001>

<sc_bundles>
// kernel: kernel.3.cloned.1.call-start
scs
__scs_entry_jumppad:
0x0: {  	(pc) =	sbr.rel $0x88, $3  }
0x1: {  	(tag) =	ssettag $0x0;
	lr =	simm.s32 $0x1  }
0x2: {  	[smem:$0x3F9E] =	sst lr;
	_ =	strace $0xD0000000  }
0x3: {  	_ = 	snop  }
0x4: {  	_ = 	snop  }
0x5: {  	_ = 	snop  }
0x6: {  	_ = 	snop  }
0x7: {  	_ = 	snop  }
__scs_overlays_trampoline_lowered:
0x8: {  	[smem:$0x3FAD] =	sst s0  }
0x9: {  	[smem:$0x3FAE] =	sst s1  }
0xa: {  	[smem:$0x3FAF] =	sst s2  }
0xb: {  	[smem:$0x3FB0] =	sst s3  }
0xc: {  	[smem:$0x3FB1] =	sst s4  }
0xd: {  	[smem:$0x3FB2] =	sst s5  }
0xe: {  	[smem:$0x3FB3] =	sst s6  }
0xf: {  	[smem:$0x3FB4] =	sst s7  }
0x10: {  	[smem:$0x3FB5] =	sst s8  }
0x11: {  	[smem:$0x3FB6] =	sst s9;
	s0 =	simm.s32 @!p0 $0x0  }
0x12: {  	s1 =	sld [smem:$0x3F9C];
	s0 =	simm.s32 @p0 $0x1  }
0x13: {  	[smem:$0x3FB7] =	sst s0;
	s0 =	simm.s32 @!p1 $0x0  }
0x14: {  	s2 =	sld [smem:$0x3F9B];
	s0 =	simm.s32 @p1 $0x1  }
0x15: {  	[smem:$0x3FB8] =	sst s0;
	s0 =	simm.s32 @!p2 $0x0  }
0x16: {  	s3 =	sld [smem:$0x3FDB];
	s0 =	simm.s32 @p2 $0x1  }
0x17: {  	s4 =	simm.s32 $0x1BF5;
	[smem:$0x3FBA] =	sst s0  }
0x18: {  	s0 =	sld [smem:$0x3F9D];
	_ =	swait.ge [sflag:s4], $0x0  }
0x19: {  	s7 =	sld [smem:$0x3F9E]  }
0x1a: {  	s8 =	sadd.s32 $0xFFFFE003, lr  }
0x1b: {  	s9 =	sadd.s32 $0xFFFFFEF7, lr;
	s5 =	simm.s32 $0xFFFFFFFF;
	p2 =	slt.u32 s8, $0xFFFFF086  }
0x1c: {  	p1 =	slt.u32 s9, $0xF7A;
	s5 =	simm.s32 @!p2 $0x0  }
0x1d: {  	s5 =	simm.s32 @p1 $0x1;
	p0 =	seq.s32 s7, s2  }
0x1e: {  	s7 =	smul.u32 @!p0 $0xF7A, s2;
	p2 =	seq.s32 @!p0 s5, $0x0  }
0x1f: {  	s9 =	smul.u32 $0xF7A, s1;
	s8 =	simm.s32 @!p0 $0x1BF5;
	p2 =	por !p2, p0  }
0x20: {  	[sflag:s8] =	ssyncset.s32 @!p0 $0xFFFFF086;
	s6 =	sadd.s32 @!p0 s3, s7;
	s7 =	simm.s32 @!p0 $0x108  }
0x21: {  	s3 =	sadd.s32 s3, s9;
	s6 =	sadd.s32 @!p0 $0x88, s6;
	s7 =	simm.s32 @p2 $0x1082  }
0x22: {  	[simem:s7], [sflag:s8] =	dma.local @!p0 [hbm:s6], $0xF7A  }
0x23: {  	s9 =	sor.u32 $0xD0000000, s2;
	s6 =	simm.s32 $0x108;
	_ =	swait.ge @!p0 [sflag:s8], $0x0  }
0x24: {  	s3 =	sadd.s32 $0x88, s3;
	s6 =	simm.s32 @!p1 $0x1082;
	[sflag:s4] =	ssyncset.s32 $0xFFFFF086  }
0x25: {  	[simem:s6], [sflag:s4] =	dma.local [hbm:s3], $0xF7A  }
0x26: {  	[smem:$0x3F9E] =	sst s1;
	(tag) =	ssettag s2;
	_ =	strace s9  }
0x27: {  	s1 =	sld [smem:$0x3FAE]  }
0x28: {  	s2 =	sld [smem:$0x3FAF]  }
0x29: {  	s4 =	sld [smem:$0x3FB1]  }
0x2a: {  	p0 =	seq.s32 s5, $0x0;
	s5 =	sld [smem:$0x3FB2]  }
0x2b: {  	s6 =	sld [smem:$0x3FB3]  }
0x2c: {  	s7 =	sld [smem:$0x3FB4]  }
0x2d: {  	s3 =	simm.s32 $0x108;
	s8 =	sld [smem:$0x3FB5]  }
0x2e: {  	s3 =	simm.s32 @!p0 $0x1082;
	s9 =	sld [smem:$0x3FB6]  }
0x2f: {  	lr =	sadd.s32 s0, s3;
	s0 =	sld [smem:$0x3FAD]  }
0x30: {  	s3 =	sld [smem:$0x3FB0]  }
0x31: {  	[smem:$0x3FB9] =	sst s10  }
0x32: {  	s10 =	sld [smem:$0x3FB7];
	_ =	sdelay $0x3  }
0x33: {  	p0 =	seq.s32 s10, $0x1;
	s10 =	sld [smem:$0x3FB9];
	_ =	sdelay $0x3  }
0x34: {  	[smem:$0x3FB9] =	sst s10  }
0x35: {  	s10 =	sld [smem:$0x3FB8];
	_ =	sdelay $0x3  }
0x36: {  	p1 =	seq.s32 s10, $0x1;
	s10 =	sld [smem:$0x3FB9];
	_ =	sdelay $0x3  }
0x37: {  	[smem:$0x3FB9] =	sst s10  }
0x38: {  	s10 =	sld [smem:$0x3FBA]  }
0x39: {  	_ = 	snop;
	(pc) =	sbr.ind lr, $3  }
0x3a: {  	_ = 	snop  }
0x3b: {  	_ = 	snop  }
0x3c: {  	p2 =	seq.s32 s10, $0x1;
	s10 =	sld [smem:$0x3FB9]  }
0x3d: {  	_ =	shalt  }
0x3e: {  	_ =	shalt  }
0x3f: {  	_ =	shalt  }
0x40: {  	_ =	shalt  }
0x41: {  	_ =	shalt  }
0x42: {  	_ =	shalt  }
0x43: {  	_ =	shalt  }
0x44: {  	_ =	shalt  }
0x45: {  	_ =	shalt  }
0x46: {  	_ =	shalt  }
0x47: {  	_ =	shalt  }
0x48: {  	_ =	shalt  }
0x49: {  	_ =	shalt  }
0x4a: {  	_ =	shalt  }
0x4b: {  	_ =	shalt  }
0x4c: {  	_ =	shalt  }
0x4d: {  	_ =	shalt  }
0x4e: {  	_ =	shalt  }
0x4f: {  	_ =	shalt  }
0x50: {  	_ =	shalt  }
0x51: {  	_ =	shalt  }
0x52: {  	_ =	shalt  }
0x53: {  	_ =	shalt  }
0x54: {  	_ =	shalt  }
0x55: {  	_ =	shalt  }
0x56: {  	_ =	shalt  }
0x57: {  	_ =	shalt  }
0x58: {  	_ =	shalt  }
0x59: {  	_ =	shalt  }
0x5a: {  	_ =	shalt  }
0x5b: {  	_ =	shalt  }
0x5c: {  	_ =	shalt  }
0x5d: {  	_ =	shalt  }
0x5e: {  	_ =	shalt  }
0x5f: {  	_ =	shalt  }
0x60: {  	_ =	shalt  }
0x61: {  	_ =	shalt  }
0x62: {  	_ =	shalt  }
0x63: {  	_ =	shalt  }
0x64: {  	_ =	shalt  }
0x65: {  	_ =	shalt  }
0x66: {  	_ =	shalt  }
0x67: {  	_ =	shalt  }
0x68: {  	_ =	shalt  }
0x69: {  	_ =	shalt  }
0x6a: {  	_ =	shalt  }
0x6b: {  	_ =	shalt  }
0x6c: {  	_ =	shalt  }
0x6d: {  	_ =	shalt  }
0x6e: {  	_ =	shalt  }
0x6f: {  	_ =	shalt  }
0x70: {  	_ =	shalt  }
0x71: {  	_ =	shalt  }
0x72: {  	_ =	shalt  }
0x73: {  	_ =	shalt  }
0x74: {  	_ =	shalt  }
0x75: {  	_ =	shalt  }
0x76: {  	_ =	shalt  }
0x77: {  	_ =	shalt  }
0x78: {  	_ =	shalt  }
0x79: {  	_ =	shalt  }
0x7a: {  	_ =	shalt  }
0x7b: {  	_ =	shalt  }
0x7c: {  	_ =	shalt  }
0x7d: {  	_ =	shalt  }
0x7e: {  	_ =	shalt  }
0x7f: {  	_ =	shalt  }
0x80: {  	_ =	shalt  }
0x81: {  	_ =	shalt  }
0x82: {  	_ =	shalt  }
0x83: {  	_ =	shalt  }
0x84: {  	_ =	shalt  }
0x85: {  	_ =	shalt  }
0x86: {  	_ =	shalt  }
0x87: {  	_ =	shalt  }
.Lfunc_end0:
.L_simem_size_0:
called_computation_lowered:
.L_overlay_start_0:
0x88: {  	s2 =	sld [smem:$0x3FD9]  }
0x89: {  	s3 =	sld [smem:$0x3FFE];
	_ =	sdelay $0x1  }
0x8a: {  	s1 =	srdreg.scid  }
0x8b: {  	s0 =	sand.u32 $0x1, s1  }
0x8c: {  	s14 =	sshll.u32 s0, $0xA;
	s2 =	sadd.s32 s3, s2  }
0x8d: {  	s2 =	sadd.s32 s2, s14  }
0x8e: {  	[smem:$0x3FC5] =	sst s2  }
0x8f: {  	_ = 	snop  }
0x90: {  	s2 =	sld [smem:$0x3FD0];
	_ =	sdelay $0x2  }
0x91: {  	s4 =	simm.s32 $0xA;
	s5 =	simm.s32 $0x10;
	s15 =	sld [smem:$0x3FC7]  }
0x92: {  	[smem:s5], [sflag:s4] =	dma.local [hbm:s2], $0x1  }
0x93: {  	_ =	swait.eq [sflag:s4], $0x1  }
0x94: {  	[sflag:s4] =	ssyncset.done $0x0  }
0x95: {  	[sflag:s4] =	ssyncadd.s32 $0xFFFFFFFF  }
0x96: {  	s16 =	sld [smem:$0x10];
	(tm) =	ssettm $0x1  }
0x97: {  	s17 =	sld [smem:$0x3FFB];
	_ =	sdelay $0x3  }
0x98: {  	_ =	strace s17  }
0x99: {  	s4 =	sld [smem:$0x3FFC];
	_ =	sdelay $0x3  }
0x9a: {  	_ =	strace s4  }
0x9b: {  	s4 =	sld [smem:$0x3FFD];
	_ =	sdelay $0x3  }
0x9c: {  	_ =	strace s4  }
0x9d: {  	_ =	strace $0x8FFFFFFF  }
0x9e: {  	s18 =	sld [smem:$0x3FDB];
	_ =	sdelay $0x1  }
0x9f: {  	s19 =	simm.s32 $_scs_section_size  }
0xa0: {  	s6 =	simm.s32 $_size__tile_overlayer_lowered;
	s7 =	simm.s32 $_tile_overlayer_lowered  }
0xa1: {  	s22 =	simm.s32 $0x1BFF;
	s21 =	sshll.u32 s7, $0x1;
	s4 =	sadd.s32 s19, s18  }
0xa2: {  	s8 =	simm.s32 $0x0;
	s20 =	sshll.u32 s6, $0x1;
	s6 =	sadd.s32 s21, s4  }
0xa3: {  	[timem:s8], [sflag:s22] =	dma.local [hbm:s6], s20  }
0xa4: {  	_ =	swait.ge [sflag:s22], s20  }
0xa5: {  	s5 =	ssub.s32 $0x0, s20;
	[sflag:s22] =	ssyncset.done $0x0  }
0xa6: {  	[sflag:s22] =	ssyncadd.s32 s5;
	_ =	sdelay $0x1  }
0xa7: {  	s23 =	simm.s32 $0x1B8B  }
0xa8: {  	_ =	swait.ge [sflag:s23], $0x1  }
0xa9: {  	[sflag:s23] =	ssyncset.done $0x0  }
0xaa: {  	s25 =	simm.s32 $0x1B8E;
	s24 =	sld [smem:$0x3FFE];
	[sflag:s23] =	ssyncadd.s32 $0xFFFFFFFF  }
0xab: {  	s26 =	simm.s32 $execute0_lowered;
	[smem:$0x3FD2] =	sst s25  }
0xac: {  	s6 =	sshll.u32 s26, $0x1;
	_ =	strace $0x80000046;
	[dreg:$0x1] =	wrdreg $0xFFFFFFFF  }
0xad: {  	s28 =	simm.s32 $_size_execute0_lowered;
	s4 =	sadd.s32 s4, s6;
	[dreg:$0x0] =	wrdreg $0x0  }
0xae: {  	s6 =	sshll.u32 s28, $0x1;
	[dreg:$0x2] =	wrdreg s4  }
0xaf: {  	[dreg:$0x3] =	wrdreg s6  }
0xb0: {  	[dreg:$0x4] =	wrdreg $0xC0  }
0xb1: {  	_ =	task [dreg:s8], $0x5FFFF  }
0xb2: {  	[dreg:$0x1] =	wrdreg $0xFFFFFFFF  }
0xb3: {  	[dreg:$0x0] =	wrdreg $0x60  }
0xb4: {  	[dreg:$0x2] =	wrdreg s24  }
0xb5: {  	[dreg:$0x3] =	wrdreg s15  }
0xb6: {  	[dreg:$0x4] =	wrdreg s16  }
0xb7: {  	[dreg:$0x5] =	wrdreg $0x9  }
0xb8: {  	_ =	task.clear_ibuf [dreg:s8], $0x6FFFF;
	_ =	strace $0x90000046  }
0xb9: {  	s29 =	simm.s32 $0x9;
	_ =	strace $0x80000048  }
0xba: {  	_ =	swait.ge [sflag:s29], $0x1  }
0xbb: {  	[sflag:s29] =	ssyncadd.s32 $0xFFFFFFFF  }
0xbc: {  	_ =	strace $0x90000048  }
0xbd: {  	_ =	sfence  }
0xbe: {  	s30 =	sld [smem:$0x0];
	_ =	sdelay $0x2  }
0xbf: {  	s31 =	sshll.u32 s1, $0xD;
	s1 =	sshrl.u32 s1, $0x2  }
0xc0: {  	s3 =	sand.u32 $0x4000, s31;
	s1 =	sadd.s32 s1, s30  }
0xc1: {  	s0 =	sor.u32 s3, s0;
	s1 =	sshll.u32 s1, $0x11  }
0xc2: {  	s0 =	sor.u32 s1, s0  }
0xc3: {  	s0 =	sadd.s32 $0x8F2B, s0  }
0xc4: {  	[sflag:s0] =	ssyncadd.remote.s32 $0x1  }
0xc5: {  	_ =	sfence.sel $0xFFFF  }
0xc6: {  	[dreg:$0x0] =	wrdreg $0xFFFFFFFF;
	(pc) =	sbr.abs _section_cstart, $3  }
0xc7: {  	[dreg:$0x1] =	wrdreg $0xFFFFFFFF  }
0xc8: {  	_ =	task.clear_ibuf [dreg:s8], $0x2FFFF;
	_ =	strace $0x9FFFFFFF  }
0xc9: {  	(tm) =	ssettm $0x7FFFFFFF  }
tec
execute0_lowered:
.L_overlay_start_1:
0x0: {  	(tag) =	ssettag $0x1  }
0x1: {  	s0 =	rddreg [dreg:$0x0]  }
0x2: {  	s2 =	rddreg [dreg:$0x1]  }
0x3: {  	s1 =	rddreg [dreg:$0x2];
	s4 =	srdreg.scid  }
0x4: {  	s8 =	stileid.u32;
	s3 =	simm.s32 $0x0;
	s10 =	simm.s32 $0x3  }
0x5: {  	s13 =	simm.s32 $0x1800;
	s30 =	simm.s32 $0x2000;
	s15 =	simm.s32 $0x2800  }
0x6: {  	s16 =	simm.s32 $0x3000;
	s17 =	simm.s32 $0x3800;
	s18 =	simm.s32 $0x4000  }
0x7: {  	s19 =	simm.s32 $0x4800;
	s20 =	simm.s32 $0x5000;
	s28 =	simm.s32 $0x8800  }
0x8: {  	s29 =	simm.s32 $0x9000;
	s11 =	simm.s32 $0xB000;
	s31 =	simm.s32 $0xB800  }
0x9: {  	s14 =	simm.s32 $0xD000;
	s12 =	simm.s32 $0x0;
	s4 =	sand.u32 $0x1, s4  }
0xa: {  	s5 =	sshll.u32 s8, $0x1;
	[smem:$0x7FF] =	sst s3;
	s8 =	smul.u32 $0x300000, s8  }
0xb: {  	s5 =	sor.u32 s4, s5;
	s6 =	ssub.s32 $0x2, s4;
	s4 =	smul.u32 $0x180000, s4  }
0xc: {  	_ =	strace $0x80000047;
	s7 =	smul.u32 $0x180000, s5;
	s5 =	sshll.u32 s5, $0x9  }
0xd: {  	[dreg:$0xa] =	wrdreg s12;
	s21 =	sshrl.u32 s6, $0x1;
	s0 =	sadd.s32 s5, s0  }
0xe: {  	s9 =	ssub.s32 s6, s21;
	s5 =	sadd.s32 $0x100, s2;
	s6 =	sadd.s32 $0x200, s2  }
0xf: {  	s4 =	sadd.s32 s4, s8;
	s8 =	simm.s32 $0x1000;
	s21 =	simm.s32 $0x5800  }
0x10: {  	s0 =	sadd.s32 $0x600, s0;
	s22 =	sshrl.u32 s7, $0x3;
	s23 =	sshrl.u32 s4, $0x3  }
0x11: {  	s4 =	sor.u32 $0xC000, s4;
	s26 =	smax.u32 s9, $0x1;
	s9 =	simm.s32 $0x2  }
0x12: {  	[dreg:$0x6] =	wrdreg s0;
	s0 =	sadd.s32 s1, s22;
	s7 =	sadd.s32 s23, s1  }
0x13: {  	s4 =	sshrl.u32 s4, $0x3;
	[dreg:$0x9] =	wrdreg s26;
	s22 =	simm.s32 $0x6000  }
0x14: {  	s23 =	simm.s32 $0x6800;
	s24 =	sadd.s32 $0x2D000, s0;
	[dreg:$0x4] =	wrdreg s7  }
0x15: {  	s26 =	simm.s32 $0x8000;
	s0 =	sadd.s32 $0x2E800, s0;
	[dreg:$0x7] =	wrdreg s24  }
0x16: {  	v2 =	vlaneseq.u32;
	s25 =	sadd.s32 s4, s1;
	s1 =	simm.s32 $0xA000;
	[dreg:$0x8] =	wrdreg s0  }
0x17: {  	vm0 =	vmmov $0xffff;
	v1 =	vshrl.u32 v2, $0x3;
	s4 =	simm.s32 $0xA800;
	s7 =	simm.s32 $0x1;
	[dreg:$0x5] =	wrdreg s25  }
0x18: {  	v0 =	vand.u32 $0x7, v2;
	v2 =	vor.u32 $0x8, v2;
	v1 =	vmul.u32 $0x8, v1;
	s24 =	simm.s32 $0x7000;
	s25 =	simm.s32 $0x7800;
	s0 =	simm.s32 $0x9800  }
.LBB2_1:
0x19: {  	s12 =	rddreg [dreg:$0x6]  }
0x1a: {  	[tilespmem:s3], [sflag:$0x3] =	stream.linear.gather [hbm4b:s12+s3], $0x1000, $0x38;
	[tilespmem:$0x19000] =	vst v63  }
0x1b: {  	_ =	swait.ge [sflag:s10], $0x1000  }
0x1c: {  	[sflag:s10] =	ssyncset.done $0x0  }
0x1d: {  	[sflag:s10] =	ssyncadd.s32 $0xFFFFF000  }
0x1e: {  	v3 =	vld [tilespmem:$0x0];
	_ =	sdelay $0x4  }
0x1f: {  	v4 =	vshrl.u32 v3, $0x3  }
0x20: {  	v4 =	vmul.u32 $0x30, v4  }
0x21: {  	v3 =	vand.u32 $0x7, v3  }
0x22: {  	v3 =	vor.u32 v3, v4  }
0x23: {  	v4 =	vperm.xlane v3, v0;
	_ =	sdelay $0x1  }
0x24: {  	v4 =	vadd.s32 v1, v4;
	_ =	sdelay $0x3  }
0x25: {  	v3 =	vperm.xlane v3, v2  }
0x26: {  	[tilespmem:s8], [sflag:$0x1] =	stream.indirect_vreg.gather [hbm4b:s2+s3], $0x80, v4, vm0, $0xb8;
	[tilespmem:$0x19000] =	vst v63  }
0x27: {  	v3 =	vadd.s32 v1, v3  }
0x28: {  	[tilespmem:s13], [sflag:$0x1] =	stream.indirect_vreg.gather [hbm4b:s5+s3], $0x80, v4, vm0, $0xb8;
	[tilespmem:$0x19000] =	vst v63  }
0x29: {  	_ = 	snop  }
0x2a: {  	[tilespmem:s30], [sflag:$0x1] =	stream.indirect_vreg.gather [hbm4b:s6+s3], $0x80, v4, vm0, $0xb8;
	[tilespmem:$0x19000] =	vst v63  }
0x2b: {  	_ = 	snop  }
0x2c: {  	[tilespmem:s15], [sflag:$0x1] =	stream.indirect_vreg.gather [hbm4b:s2+s3], $0x80, v3, vm0, $0xb8;
	[tilespmem:$0x19000] =	vst v63  }
0x2d: {  	_ = 	snop  }
0x2e: {  	[tilespmem:s16], [sflag:$0x1] =	stream.indirect_vreg.gather [hbm4b:s5+s3], $0x80, v3, vm0, $0xb8;
	[tilespmem:$0x19000] =	vst v63  }
0x2f: {  	_ = 	snop  }
0x30: {  	[tilespmem:s17], [sflag:$0x1] =	stream.indirect_vreg.gather [hbm4b:s6+s3], $0x80, v3, vm0, $0xb8;
	[tilespmem:$0x19000] =	vst v63  }
0x31: {  	v3 =	vld [tilespmem:$0x10];
	_ =	sdelay $0x4  }
0x32: {  	v57 =	vshrl.u32 v3, $0x3  }
0x33: {  	v4 =	vmul.u32 $0x30, v57  }
0x34: {  	v3 =	vand.u32 $0x7, v3  }
0x35: {  	v3 =	vor.u32 v3, v4  }
0x36: {  	v4 =	vperm.xlane v3, v0;
	_ =	sdelay $0x1  }
0x37: {  	v4 =	vadd.s32 v1, v4;
	_ =	sdelay $0x3  }
0x38: {  	v3 =	vperm.xlane v3, v2  }
0x39: {  	[tilespmem:s18], [sflag:$0x1] =	stream.indirect_vreg.gather [hbm4b:s2+s3], $0x80, v4, vm0, $0xb8;
	[tilespmem:$0x19000] =	vst v63  }
0x3a: {  	v3 =	vadd.s32 v1, v3  }
0x3b: {  	[tilespmem:s19], [sflag:$0x1] =	stream.indirect_vreg.gather [hbm4b:s5+s3], $0x80, v4, vm0, $0xb8;
	[tilespmem:$0x19000] =	vst v63  }
0x3c: {  	_ = 	snop  }
0x3d: {  	[tilespmem:s20], [sflag:$0x1] =	stream.indirect_vreg.gather [hbm4b:s6+s3], $0x80, v4, vm0, $0xb8;
	[tilespmem:$0x19000] =	vst v63  }
0x3e: {  	_ = 	snop  }
0x3f: {  	[tilespmem:s21], [sflag:$0x1] =	stream.indirect_vreg.gather [hbm4b:s2+s3], $0x80, v3, vm0, $0xb8;
	[tilespmem:$0x19000] =	vst v63  }
0x40: {  	_ = 	snop  }
0x41: {  	[tilespmem:s22], [sflag:$0x1] =	stream.indirect_vreg.gather [hbm4b:s5+s3], $0x80, v3, vm0, $0xb8;
	[tilespmem:$0x19000] =	vst v63  }
0x42: {  	_ = 	snop  }
0x43: {  	[tilespmem:s23], [sflag:$0x1] =	stream.indirect_vreg.gather [hbm4b:s6+s3], $0x80, v3, vm0, $0xb8;
	[tilespmem:$0x19000] =	vst v63  }
0x44: {  	v3 =	vld [tilespmem:$0x20];
	_ =	sdelay $0x4  }
0x45: {  	v58 =	vshrl.u32 v3, $0x3  }
0x46: {  	v4 =	vmul.u32 $0x30, v58  }
0x47: {  	v3 =	vand.u32 $0x7, v3  }
0x48: {  	v3 =	vor.u32 v3, v4  }
0x49: {  	v4 =	vperm.xlane v3, v0;
	_ =	sdelay $0x1  }
0x4a: {  	v4 =	vadd.s32 v1, v4;
	_ =	sdelay $0x3  }
0x4b: {  	v3 =	vperm.xlane v3, v2  }
0x4c: {  	[tilespmem:s24], [sflag:$0x1] =	stream.indirect_vreg.gather [hbm4b:s2+s3], $0x80, v4, vm0, $0xb8;
	[tilespmem:$0x19000] =	vst v63  }
0x4d: {  	v3 =	vadd.s32 v1, v3  }
0x4e: {  	[tilespmem:s25], [sflag:$0x1] =	stream.indirect_vreg.gather [hbm4b:s5+s3], $0x80, v4, vm0, $0xb8;
	[tilespmem:$0x19000] =	vst v63  }
0x4f: {  	_ = 	snop  }
0x50: {  	[tilespmem:s26], [sflag:$0x1] =	stream.indirect_vreg.gather [hbm4b:s6+s3], $0x80, v4, vm0, $0xb8;
	[tilespmem:$0x19000] =	vst v63  }
0x51: {  	_ = 	snop  }
0x52: {  	[tilespmem:s28], [sflag:$0x1] =	stream.indirect_vreg.gather [hbm4b:s2+s3], $0x80, v3, vm0, $0xb8;
	[tilespmem:$0x19000] =	vst v63  }
0x53: {  	_ = 	snop  }
0x54: {  	[tilespmem:s29], [sflag:$0x1] =	stream.indirect_vreg.gather [hbm4b:s5+s3], $0x80, v3, vm0, $0xb8;
	[tilespmem:$0x19000] =	vst v63  }
0x55: {  	_ = 	snop  }
0x56: {  	[tilespmem:s0], [sflag:$0x1] =	stream.indirect_vreg.gather [hbm4b:s6+s3], $0x80, v3, vm0, $0xb8;
	[tilespmem:$0x19000] =	vst v63  }
0x57: {  	v3 =	vld [tilespmem:$0x30];
	_ =	sdelay $0x4  }
0x58: {  	v59 =	vshrl.u32 v3, $0x3  }
0x59: {  	v4 =	vmul.u32 $0x30, v59  }
0x5a: {  	v3 =	vand.u32 $0x7, v3  }
0x5b: {  	v3 =	vor.u32 v3, v4  }
0x5c: {  	v4 =	vperm.xlane v3, v0;
	_ =	sdelay $0x1  }
0x5d: {  	v4 =	vadd.s32 v1, v4;
	_ =	sdelay $0x3  }
0x5e: {  	v3 =	vperm.xlane v3, v2  }
0x5f: {  	[tilespmem:s1], [sflag:$0x1] =	stream.indirect_vreg.gather [hbm4b:s2+s3], $0x80, v4, vm0, $0xb8;
	[tilespmem:$0x19000] =	vst v63  }
0x60: {  	v3 =	vadd.s32 v1, v3  }
0x61: {  	[tilespmem:s4], [sflag:$0x1] =	stream.indirect_vreg.gather [hbm4b:s5+s3], $0x80, v4, vm0, $0xb8;
	[tilespmem:$0x19000] =	vst v63  }
0x62: {  	_ = 	snop  }
0x63: {  	[tilespmem:s11], [sflag:$0x1] =	stream.indirect_vreg.gather [hbm4b:s6+s3], $0x80, v4, vm0, $0xb8;
	[tilespmem:$0x19000] =	vst v63  }
0x64: {  	_ = 	snop  }
0x65: {  	[tilespmem:s31], [sflag:$0x1] =	stream.indirect_vreg.gather [hbm4b:s2+s3], $0x80, v3, vm0, $0xb8;
	[tilespmem:$0x19000] =	vst v63  }
0x66: {  	s25 =	simm.s32 $0xC000  }
0x67: {  	[tilespmem:s25], [sflag:$0x1] =	stream.indirect_vreg.gather [hbm4b:s5+s3], $0x80, v3, vm0, $0xb8;
	[tilespmem:$0x19000] =	vst v63  }
0x68: {  	s26 =	simm.s32 $0xC800  }
0x69: {  	[tilespmem:s26], [sflag:$0x1] =	stream.indirect_vreg.gather [hbm4b:s6+s3], $0x80, v3, vm0, $0xb8;
	[tilespmem:$0x19000] =	vst v63  }
0x6a: {  	v3 =	vld [tilespmem:$0x80];
	_ =	sdelay $0x4  }
0x6b: {  	v60 =	vshrl.u32 v3, $0x3  }
0x6c: {  	v4 =	vmul.u32 $0x30, v60  }
0x6d: {  	v3 =	vand.u32 $0x7, v3  }
0x6e: {  	v3 =	vor.u32 v3, v4  }
0x6f: {  	v4 =	vperm.xlane v3, v0;
	_ =	sdelay $0x1  }
0x70: {  	v4 =	vadd.s32 v1, v4;
	_ =	sdelay $0x3  }
0x71: {  	v3 =	vperm.xlane v3, v2  }
0x72: {  	[tilespmem:s14], [sflag:$0x2] =	stream.indirect_vreg.gather [hbm4b:s2+s3], $0x80, v4, vm0, $0xb8;
	[tilespmem:$0x19000] =	vst v63  }
0x73: {  	s1 =	simm.s32 $0xD800;
	v3 =	vadd.s32 v1, v3  }
0x74: {  	[tilespmem:s1], [sflag:$0x2] =	stream.indirect_vreg.gather [hbm4b:s5+s3], $0x80, v4, vm0, $0xb8;
	[tilespmem:$0x19000] =	vst v63  }
0x75: {  	s4 =	simm.s32 $0xE000  }
0x76: {  	[tilespmem:s4], [sflag:$0x2] =	stream.indirect_vreg.gather [hbm4b:s6+s3], $0x80, v4, vm0, $0xb8;
	[tilespmem:$0x19000] =	vst v63  }
0x77: {  	s8 =	simm.s32 $0xE800  }
0x78: {  	[tilespmem:s8], [sflag:$0x2] =	stream.indirect_vreg.gather [hbm4b:s2+s3], $0x80, v3, vm0, $0xb8;
	[tilespmem:$0x19000] =	vst v63  }
0x79: {  	s11 =	simm.s32 $0xF000  }
0x7a: {  	[tilespmem:s11], [sflag:$0x2] =	stream.indirect_vreg.gather [hbm4b:s5+s3], $0x80, v3, vm0, $0xb8;
	[tilespmem:$0x19000] =	vst v63  }
0x7b: {  	s12 =	simm.s32 $0xF800  }
0x7c: {  	[tilespmem:s12], [sflag:$0x2] =	stream.indirect_vreg.gather [hbm4b:s6+s3], $0x80, v3, vm0, $0xb8;
	[tilespmem:$0x19000] =	vst v63  }
0x7d: {  	v3 =	vld [tilespmem:$0x90];
	_ =	sdelay $0x4  }
0x7e: {  	v61 =	vshrl.u32 v3, $0x3  }
0x7f: {  	v4 =	vmul.u32 $0x30, v61  }
0x80: {  	v3 =	vand.u32 $0x7, v3  }
0x81: {  	v3 =	vor.u32 v3, v4  }
0x82: {  	v4 =	vperm.xlane v3, v0;
	_ =	sdelay $0x1  }
0x83: {  	v4 =	vadd.s32 v1, v4;
	_ =	sdelay $0x3  }
0x84: {  	s13 =	simm.s32 $0x10000;
	v3 =	vperm.xlane v3, v2  }
0x85: {  	[tilespmem:s13], [sflag:$0x2] =	stream.indirect_vreg.gather [hbm4b:s2+s3], $0x80, v4, vm0, $0xb8;
	[tilespmem:$0x19000] =	vst v63  }
0x86: {  	s14 =	simm.s32 $0x10800;
	v3 =	vadd.s32 v1, v3  }
0x87: {  	[tilespmem:s14], [sflag:$0x2] =	stream.indirect_vreg.gather [hbm4b:s5+s3], $0x80, v4, vm0, $0xb8;
	[tilespmem:$0x19000] =	vst v63  }
0x88: {  	s15 =	simm.s32 $0x11000  }
0x89: {  	[tilespmem:s15], [sflag:$0x2] =	stream.indirect_vreg.gather [hbm4b:s6+s3], $0x80, v4, vm0, $0xb8;
	[tilespmem:$0x19000] =	vst v63  }
0x8a: {  	s16 =	simm.s32 $0x11800  }
0x8b: {  	[tilespmem:s16], [sflag:$0x2] =	stream.indirect_vreg.gather [hbm4b:s2+s3], $0x80, v3, vm0, $0xb8;
	[tilespmem:$0x19000] =	vst v63  }
0x8c: {  	s17 =	simm.s32 $0x12000  }
0x8d: {  	[tilespmem:s17], [sflag:$0x2] =	stream.indirect_vreg.gather [hbm4b:s5+s3], $0x80, v3, vm0, $0xb8;
	[tilespmem:$0x19000] =	vst v63  }
0x8e: {  	s18 =	simm.s32 $0x12800  }
0x8f: {  	[tilespmem:s18], [sflag:$0x2] =	stream.indirect_vreg.gather [hbm4b:s6+s3], $0x80, v3, vm0, $0xb8;
	[tilespmem:$0x19000] =	vst v63  }
0x90: {  	v3 =	vld [tilespmem:$0xA0];
	_ =	sdelay $0x4  }
0x91: {  	v62 =	vshrl.u32 v3, $0x3  }
0x92: {  	v4 =	vmul.u32 $0x30, v62  }
0x93: {  	v3 =	vand.u32 $0x7, v3  }
0x94: {  	v3 =	vor.u32 v3, v4  }
0x95: {  	v4 =	vperm.xlane v3, v0;
	_ =	sdelay $0x1  }
0x96: {  	v4 =	vadd.s32 v1, v4;
	_ =	sdelay $0x3  }
0x97: {  	s19 =	simm.s32 $0x13000;
	v3 =	vperm.xlane v3, v2  }
0x98: {  	[tilespmem:s19], [sflag:$0x2] =	stream.indirect_vreg.gather [hbm4b:s2+s3], $0x80, v4, vm0, $0xb8;
	[tilespmem:$0x19000] =	vst v63  }
0x99: {  	s20 =	simm.s32 $0x13800;
	v3 =	vadd.s32 v1, v3  }
0x9a: {  	[tilespmem:s20], [sflag:$0x2] =	stream.indirect_vreg.gather [hbm4b:s5+s3], $0x80, v4, vm0, $0xb8;
	[tilespmem:$0x19000] =	vst v63  }
0x9b: {  	s21 =	simm.s32 $0x14000  }
0x9c: {  	[tilespmem:s21], [sflag:$0x2] =	stream.indirect_vreg.gather [hbm4b:s6+s3], $0x80, v4, vm0, $0xb8;
	[tilespmem:$0x19000] =	vst v63  }
0x9d: {  	s22 =	simm.s32 $0x14800  }
0x9e: {  	[tilespmem:s22], [sflag:$0x2] =	stream.indirect_vreg.gather [hbm4b:s2+s3], $0x80, v3, vm0, $0xb8;
	[tilespmem:$0x19000] =	vst v63  }
0x9f: {  	s23 =	simm.s32 $0x15000  }
0xa0: {  	[tilespmem:s23], [sflag:$0x2] =	stream.indirect_vreg.gather [hbm4b:s5+s3], $0x80, v3, vm0, $0xb8;
	[tilespmem:$0x19000] =	vst v63  }
0xa1: {  	s24 =	simm.s32 $0x15800  }
0xa2: {  	[tilespmem:s24], [sflag:$0x2] =	stream.indirect_vreg.gather [hbm4b:s6+s3], $0x80, v3, vm0, $0xb8;
	[tilespmem:$0x19000] =	vst v63  }
0xa3: {  	v3 =	vld [tilespmem:$0xB0];
	_ =	sdelay $0x4  }
0xa4: {  	v63 =	vshrl.u32 v3, $0x3  }
0xa5: {  	v4 =	vmul.u32 $0x30, v63  }
0xa6: {  	v3 =	vand.u32 $0x7, v3  }
0xa7: {  	v3 =	vor.u32 v3, v4  }
0xa8: {  	v4 =	vperm.xlane v3, v0;
	_ =	sdelay $0x1  }
0xa9: {  	v4 =	vadd.s32 v1, v4;
	_ =	sdelay $0x1  }
0xaa: {  	s30 =	simm.s32 $0x17800;
	s28 =	simm.s32 $0x7800  }
0xab: {  	s29 =	simm.s32 $0x8000;
	s0 =	simm.s32 $0x18000;
	s31 =	simm.s32 $0x9000  }
0xac: {  	s25 =	simm.s32 $0x16000;
	s26 =	simm.s32 $0x16800;
	s1 =	simm.s32 $0xA000;
	v3 =	vperm.xlane v3, v2  }
0xad: {  	[tilespmem:s25], [sflag:$0x2] =	stream.indirect_vreg.gather [hbm4b:s2+s3], $0x80, v4, vm0, $0xb8;
	[tilespmem:$0x19000] =	vst v63  }
0xae: {  	s4 =	simm.s32 $0xA800;
	s11 =	simm.s32 $0xB000;
	s12 =	simm.s32 $0x1B0;
	v3 =	vadd.s32 v1, v3  }
0xaf: {  	[tilespmem:s26], [sflag:$0x2] =	stream.indirect_vreg.gather [hbm4b:s5+s3], $0x80, v4, vm0, $0xb8;
	[tilespmem:$0x19000] =	vst v63  }
0xb0: {  	s13 =	simm.s32 $0x0;
	s15 =	simm.s32 $0x18800;
	s25 =	simm.s32 $0x17000  }
0xb1: {  	[tilespmem:s25], [sflag:$0x2] =	stream.indirect_vreg.gather [hbm4b:s6+s3], $0x80, v4, vm0, $0xb8;
	[tilespmem:$0x19000] =	vst v63  }
0xb2: {  	s16 =	simm.s32 $0x2000;
	s18 =	simm.s32 $0x3000;
	s19 =	simm.s32 $0x3800  }
0xb3: {  	[tilespmem:s30], [sflag:$0x2] =	stream.indirect_vreg.gather [hbm4b:s2+s3], $0x80, v3, vm0, $0xb8;
	[tilespmem:$0x19000] =	vst v63  }
0xb4: {  	s20 =	simm.s32 $0x4000;
	s21 =	simm.s32 $0xB800;
	s22 =	simm.s32 $0x5000  }
0xb5: {  	[tilespmem:s0], [sflag:$0x2] =	stream.indirect_vreg.gather [hbm4b:s5+s3], $0x80, v3, vm0, $0xb8;
	[tilespmem:$0x19000] =	vst v63  }
0xb6: {  	s23 =	simm.s32 $0x5800;
	s24 =	simm.s32 $0x6000;
	s26 =	simm.s32 $0x7000  }
0xb7: {  	[tilespmem:s15], [sflag:$0x2] =	stream.indirect_vreg.gather [hbm4b:s6+s3], $0x80, v3, vm0, $0xb8;
	[tilespmem:$0x19000] =	vst v63  }
.LBB2_2:
0xb8: {  	_ =	swait.ge [sflag:s7], $0xC000  }
0xb9: {  	s14 =	rddreg [dreg:$0x4];
	[sflag:s7] =	ssyncset.done $0x0  }
0xba: {  	s17 =	simm.s32 $0x1000;
	[sflag:s7] =	ssyncadd.s32 $0xFFFF4000;
	s14 =	sadd.s32 s13, s14  }
0xbb: {  	[hbm4b:s14+s3] =	stream.linear.scatter [tilespmem:s17], [sflag:$0x3], $0xC000, $0x38;
	[tilespmem:$0x19000] =	vst v63  }
0xbc: {  	_ =	swait.ge [sflag:s10], $0xC000  }
0xbd: {  	[sflag:s10] =	ssyncset.done $0x0  }
0xbe: {  	[sflag:s10] =	ssyncadd.s32 $0xFFFF4000  }
0xbf: {  	v3 =	vld [tilespmem:s12+$0xFFFFFF50];
	_ =	sdelay $0x4  }
0xc0: {  	v4 =	vshrl.u32 v3, $0x3  }
0xc1: {  	v4 =	vmul.u32 $0x30, v4  }
0xc2: {  	v3 =	vand.u32 $0x7, v3  }
0xc3: {  	v3 =	vor.u32 v3, v4  }
0xc4: {  	v4 =	vperm.xlane v3, v0;
	_ =	sdelay $0x1  }
0xc5: {  	v4 =	vadd.s32 v1, v4;
	_ =	sdelay $0x3  }
0xc6: {  	v3 =	vperm.xlane v3, v2  }
0xc7: {  	[tilespmem:s17], [sflag:$0x1] =	stream.indirect_vreg.gather [hbm4b:s2+s3], $0x80, v4, vm0, $0xb8;
	[tilespmem:$0x19000] =	vst v63  }
0xc8: {  	v3 =	vadd.s32 v1, v3;
	s17 =	simm.s32 $0x1800  }
0xc9: {  	[tilespmem:s17], [sflag:$0x1] =	stream.indirect_vreg.gather [hbm4b:s5+s3], $0x80, v4, vm0, $0xb8;
	[tilespmem:$0x19000] =	vst v63  }
0xca: {  	_ = 	snop  }
0xcb: {  	[tilespmem:s16], [sflag:$0x1] =	stream.indirect_vreg.gather [hbm4b:s6+s3], $0x80, v4, vm0, $0xb8;
	[tilespmem:$0x19000] =	vst v63  }
0xcc: {  	s17 =	simm.s32 $0x2800  }
0xcd: {  	[tilespmem:s17], [sflag:$0x1] =	stream.indirect_vreg.gather [hbm4b:s2+s3], $0x80, v3, vm0, $0xb8;
	[tilespmem:$0x19000] =	vst v63  }
0xce: {  	_ = 	snop  }
0xcf: {  	[tilespmem:s18], [sflag:$0x1] =	stream.indirect_vreg.gather [hbm4b:s5+s3], $0x80, v3, vm0, $0xb8;
	[tilespmem:$0x19000] =	vst v63  }
0xd0: {  	_ = 	snop  }
0xd1: {  	[tilespmem:s19], [sflag:$0x1] =	stream.indirect_vreg.gather [hbm4b:s6+s3], $0x80, v3, vm0, $0xb8;
	[tilespmem:$0x19000] =	vst v63  }
0xd2: {  	v3 =	vld [tilespmem:s12+$0xFFFFFF60];
	_ =	sdelay $0x4  }
0xd3: {  	v57 =	vshrl.u32 v3, $0x3  }
0xd4: {  	v4 =	vmul.u32 $0x30, v57  }
0xd5: {  	v3 =	vand.u32 $0x7, v3  }
0xd6: {  	v3 =	vor.u32 v3, v4  }
0xd7: {  	v4 =	vperm.xlane v3, v0;
	_ =	sdelay $0x1  }
0xd8: {  	v4 =	vadd.s32 v1, v4;
	_ =	sdelay $0x3  }
0xd9: {  	v3 =	vperm.xlane v3, v2  }
0xda: {  	[tilespmem:s20], [sflag:$0x1] =	stream.indirect_vreg.gather [hbm4b:s2+s3], $0x80, v4, vm0, $0xb8;
	[tilespmem:$0x19000] =	vst v63  }
0xdb: {  	s17 =	simm.s32 $0x4800;
	v3 =	vadd.s32 v1, v3  }
0xdc: {  	[tilespmem:s17], [sflag:$0x1] =	stream.indirect_vreg.gather [hbm4b:s5+s3], $0x80, v4, vm0, $0xb8;
	[tilespmem:$0x19000] =	vst v63  }
0xdd: {  	_ = 	snop  }
0xde: {  	[tilespmem:s22], [sflag:$0x1] =	stream.indirect_vreg.gather [hbm4b:s6+s3], $0x80, v4, vm0, $0xb8;
	[tilespmem:$0x19000] =	vst v63  }
0xdf: {  	_ = 	snop  }
0xe0: {  	[tilespmem:s23], [sflag:$0x1] =	stream.indirect_vreg.gather [hbm4b:s2+s3], $0x80, v3, vm0, $0xb8;
	[tilespmem:$0x19000] =	vst v63  }
0xe1: {  	_ = 	snop  }
0xe2: {  	[tilespmem:s24], [sflag:$0x1] =	stream.indirect_vreg.gather [hbm4b:s5+s3], $0x80, v3, vm0, $0xb8;
	[tilespmem:$0x19000] =	vst v63  }
0xe3: {  	s17 =	simm.s32 $0x6800  }
0xe4: {  	[tilespmem:s17], [sflag:$0x1] =	stream.indirect_vreg.gather [hbm4b:s6+s3], $0x80, v3, vm0, $0xb8;
	[tilespmem:$0x19000] =	vst v63  }
0xe5: {  	v3 =	vld [tilespmem:s12+$0xFFFFFF70];
	_ =	sdelay $0x4  }
0xe6: {  	v58 =	vshrl.u32 v3, $0x3  }
0xe7: {  	v4 =	vmul.u32 $0x30, v58  }
0xe8: {  	v3 =	vand.u32 $0x7, v3  }
0xe9: {  	v3 =	vor.u32 v3, v4  }
0xea: {  	v4 =	vperm.xlane v3, v0;
	_ =	sdelay $0x1  }
0xeb: {  	v4 =	vadd.s32 v1, v4;
	_ =	sdelay $0x3  }
0xec: {  	v3 =	vperm.xlane v3, v2  }
0xed: {  	[tilespmem:s26], [sflag:$0x1] =	stream.indirect_vreg.gather [hbm4b:s2+s3], $0x80, v4, vm0, $0xb8;
	[tilespmem:$0x19000] =	vst v63  }
0xee: {  	v3 =	vadd.s32 v1, v3  }
0xef: {  	[tilespmem:s28], [sflag:$0x1] =	stream.indirect_vreg.gather [hbm4b:s5+s3], $0x80, v4, vm0, $0xb8;
	[tilespmem:$0x19000] =	vst v63  }
0xf0: {  	_ = 	snop  }
0xf1: {  	[tilespmem:s29], [sflag:$0x1] =	stream.indirect_vreg.gather [hbm4b:s6+s3], $0x80, v4, vm0, $0xb8;
	[tilespmem:$0x19000] =	vst v63  }
0xf2: {  	s17 =	simm.s32 $0x8800  }
0xf3: {  	[tilespmem:s17], [sflag:$0x1] =	stream.indirect_vreg.gather [hbm4b:s2+s3], $0x80, v3, vm0, $0xb8;
	[tilespmem:$0x19000] =	vst v63  }
0xf4: {  	_ = 	snop  }
0xf5: {  	[tilespmem:s31], [sflag:$0x1] =	stream.indirect_vreg.gather [hbm4b:s5+s3], $0x80, v3, vm0, $0xb8;
	[tilespmem:$0x19000] =	vst v63  }
0xf6: {  	s17 =	simm.s32 $0x9800  }
0xf7: {  	[tilespmem:s17], [sflag:$0x1] =	stream.indirect_vreg.gather [hbm4b:s6+s3], $0x80, v3, vm0, $0xb8;
	[tilespmem:$0x19000] =	vst v63  }
0xf8: {  	v3 =	vld [tilespmem:s12+$0xFFFFFF80];
	_ =	sdelay $0x4  }
0xf9: {  	v59 =	vshrl.u32 v3, $0x3  }
0xfa: {  	v4 =	vmul.u32 $0x30, v59  }
0xfb: {  	v3 =	vand.u32 $0x7, v3  }
0xfc: {  	v3 =	vor.u32 v3, v4  }
0xfd: {  	v4 =	vperm.xlane v3, v0;
	_ =	sdelay $0x1  }
0xfe: {  	v4 =	vadd.s32 v1, v4;
	_ =	sdelay $0x3  }
0xff: {  	v3 =	vperm.xlane v3, v2  }
0x100: {  	[tilespmem:s1], [sflag:$0x1] =	stream.indirect_vreg.gather [hbm4b:s2+s3], $0x80, v4, vm0, $0xb8;
	[tilespmem:$0x19000] =	vst v63  }
0x101: {  	v3 =	vadd.s32 v1, v3  }
0x102: {  	[tilespmem:s4], [sflag:$0x1] =	stream.indirect_vreg.gather [hbm4b:s5+s3], $0x80, v4, vm0, $0xb8;
	[tilespmem:$0x19000] =	vst v63  }
0x103: {  	_ = 	snop  }
0x104: {  	[tilespmem:s11], [sflag:$0x1] =	stream.indirect_vreg.gather [hbm4b:s6+s3], $0x80, v4, vm0, $0xb8;
	[tilespmem:$0x19000] =	vst v63  }
0x105: {  	_ = 	snop  }
0x106: {  	[tilespmem:s21], [sflag:$0x1] =	stream.indirect_vreg.gather [hbm4b:s2+s3], $0x80, v3, vm0, $0xb8;
	[tilespmem:$0x19000] =	vst v63  }
0x107: {  	s17 =	simm.s32 $0xC000  }
0x108: {  	[tilespmem:s17], [sflag:$0x1] =	stream.indirect_vreg.gather [hbm4b:s5+s3], $0x80, v3, vm0, $0xb8;
	[tilespmem:$0x19000] =	vst v63  }
0x109: {  	s17 =	simm.s32 $0xC800  }
0x10a: {  	[tilespmem:s17], [sflag:$0x1] =	stream.indirect_vreg.gather [hbm4b:s6+s3], $0x80, v3, vm0, $0xb8;
	[tilespmem:$0x19000] =	vst v63  }
0x10b: {  	_ =	swait.ge [sflag:s9], $0xC000  }
0x10c: {  	s17 =	rddreg [dreg:$0x5];
	[sflag:s9] =	ssyncset.done $0x0  }
0x10d: {  	[sflag:s9] =	ssyncadd.s32 $0xFFFF4000;
	s14 =	sadd.s32 s13, s17;
	s17 =	simm.s32 $0xD000  }
0x10e: {  	[hbm4b:s14+s3] =	stream.linear.scatter [tilespmem:s17], [sflag:$0x3], $0xC000, $0x38;
	[tilespmem:$0x19000] =	vst v63  }
0x10f: {  	_ =	swait.ge [sflag:s10], $0xC000  }
0x110: {  	[sflag:s10] =	ssyncset.done $0x0  }
0x111: {  	[sflag:s10] =	ssyncadd.s32 $0xFFFF4000  }
0x112: {  	v3 =	vld [tilespmem:s12+$0xFFFFFFD0];
	_ =	sdelay $0x4  }
0x113: {  	v60 =	vshrl.u32 v3, $0x3  }
0x114: {  	v4 =	vmul.u32 $0x30, v60  }
0x115: {  	v3 =	vand.u32 $0x7, v3  }
0x116: {  	v3 =	vor.u32 v3, v4  }
0x117: {  	v4 =	vperm.xlane v3, v0;
	_ =	sdelay $0x1  }
0x118: {  	v4 =	vadd.s32 v1, v4;
	_ =	sdelay $0x3  }
0x119: {  	v3 =	vperm.xlane v3, v2  }
0x11a: {  	[tilespmem:s17], [sflag:$0x2] =	stream.indirect_vreg.gather [hbm4b:s2+s3], $0x80, v4, vm0, $0xb8;
	[tilespmem:$0x19000] =	vst v63  }
0x11b: {  	v3 =	vadd.s32 v1, v3;
	s17 =	simm.s32 $0xD800  }
0x11c: {  	[tilespmem:s17], [sflag:$0x2] =	stream.indirect_vreg.gather [hbm4b:s5+s3], $0x80, v4, vm0, $0xb8;
	[tilespmem:$0x19000] =	vst v63  }
0x11d: {  	s17 =	simm.s32 $0xE000  }
0x11e: {  	[tilespmem:s17], [sflag:$0x2] =	stream.indirect_vreg.gather [hbm4b:s6+s3], $0x80, v4, vm0, $0xb8;
	[tilespmem:$0x19000] =	vst v63  }
0x11f: {  	s17 =	simm.s32 $0xE800  }
0x120: {  	[tilespmem:s17], [sflag:$0x2] =	stream.indirect_vreg.gather [hbm4b:s2+s3], $0x80, v3, vm0, $0xb8;
	[tilespmem:$0x19000] =	vst v63  }
0x121: {  	s17 =	simm.s32 $0xF000  }
0x122: {  	[tilespmem:s17], [sflag:$0x2] =	stream.indirect_vreg.gather [hbm4b:s5+s3], $0x80, v3, vm0, $0xb8;
	[tilespmem:$0x19000] =	vst v63  }
0x123: {  	s17 =	simm.s32 $0xF800  }
0x124: {  	[tilespmem:s17], [sflag:$0x2] =	stream.indirect_vreg.gather [hbm4b:s6+s3], $0x80, v3, vm0, $0xb8;
	[tilespmem:$0x19000] =	vst v63  }
0x125: {  	v3 =	vld [tilespmem:s12+$0xFFFFFFE0];
	_ =	sdelay $0x4  }
0x126: {  	v61 =	vshrl.u32 v3, $0x3  }
0x127: {  	v4 =	vmul.u32 $0x30, v61  }
0x128: {  	v3 =	vand.u32 $0x7, v3  }
0x129: {  	v3 =	vor.u32 v3, v4  }
0x12a: {  	v4 =	vperm.xlane v3, v0;
	_ =	sdelay $0x1  }
0x12b: {  	v4 =	vadd.s32 v1, v4;
	_ =	sdelay $0x3  }
0x12c: {  	s17 =	simm.s32 $0x10000;
	v3 =	vperm.xlane v3, v2  }
0x12d: {  	[tilespmem:s17], [sflag:$0x2] =	stream.indirect_vreg.gather [hbm4b:s2+s3], $0x80, v4, vm0, $0xb8;
	[tilespmem:$0x19000] =	vst v63  }
0x12e: {  	v3 =	vadd.s32 v1, v3;
	s17 =	simm.s32 $0x10800  }
0x12f: {  	[tilespmem:s17], [sflag:$0x2] =	stream.indirect_vreg.gather [hbm4b:s5+s3], $0x80, v4, vm0, $0xb8;
	[tilespmem:$0x19000] =	vst v63  }
0x130: {  	s17 =	simm.s32 $0x11000  }
0x131: {  	[tilespmem:s17], [sflag:$0x2] =	stream.indirect_vreg.gather [hbm4b:s6+s3], $0x80, v4, vm0, $0xb8;
	[tilespmem:$0x19000] =	vst v63  }
0x132: {  	s17 =	simm.s32 $0x11800  }
0x133: {  	[tilespmem:s17], [sflag:$0x2] =	stream.indirect_vreg.gather [hbm4b:s2+s3], $0x80, v3, vm0, $0xb8;
	[tilespmem:$0x19000] =	vst v63  }
0x134: {  	s17 =	simm.s32 $0x12000  }
0x135: {  	[tilespmem:s17], [sflag:$0x2] =	stream.indirect_vreg.gather [hbm4b:s5+s3], $0x80, v3, vm0, $0xb8;
	[tilespmem:$0x19000] =	vst v63  }
0x136: {  	s17 =	simm.s32 $0x12800  }
0x137: {  	[tilespmem:s17], [sflag:$0x2] =	stream.indirect_vreg.gather [hbm4b:s6+s3], $0x80, v3, vm0, $0xb8;
	[tilespmem:$0x19000] =	vst v63  }
0x138: {  	v3 =	vld [tilespmem:s12+$0xFFFFFFF0];
	_ =	sdelay $0x4  }
0x139: {  	v62 =	vshrl.u32 v3, $0x3  }
0x13a: {  	v4 =	vmul.u32 $0x30, v62  }
0x13b: {  	v3 =	vand.u32 $0x7, v3  }
0x13c: {  	v3 =	vor.u32 v3, v4  }
0x13d: {  	v4 =	vperm.xlane v3, v0;
	_ =	sdelay $0x1  }
0x13e: {  	v4 =	vadd.s32 v1, v4;
	_ =	sdelay $0x3  }
0x13f: {  	s17 =	simm.s32 $0x13000;
	v3 =	vperm.xlane v3, v2  }
0x140: {  	[tilespmem:s17], [sflag:$0x2] =	stream.indirect_vreg.gather [hbm4b:s2+s3], $0x80, v4, vm0, $0xb8;
	[tilespmem:$0x19000] =	vst v63  }
0x141: {  	v3 =	vadd.s32 v1, v3;
	s17 =	simm.s32 $0x13800  }
0x142: {  	[tilespmem:s17], [sflag:$0x2] =	stream.indirect_vreg.gather [hbm4b:s5+s3], $0x80, v4, vm0, $0xb8;
	[tilespmem:$0x19000] =	vst v63  }
0x143: {  	s17 =	simm.s32 $0x14000  }
0x144: {  	[tilespmem:s17], [sflag:$0x2] =	stream.indirect_vreg.gather [hbm4b:s6+s3], $0x80, v4, vm0, $0xb8;
	[tilespmem:$0x19000] =	vst v63  }
0x145: {  	s17 =	simm.s32 $0x14800  }
0x146: {  	[tilespmem:s17], [sflag:$0x2] =	stream.indirect_vreg.gather [hbm4b:s2+s3], $0x80, v3, vm0, $0xb8;
	[tilespmem:$0x19000] =	vst v63  }
0x147: {  	s17 =	simm.s32 $0x15000  }
0x148: {  	[tilespmem:s17], [sflag:$0x2] =	stream.indirect_vreg.gather [hbm4b:s5+s3], $0x80, v3, vm0, $0xb8;
	[tilespmem:$0x19000] =	vst v63  }
0x149: {  	s17 =	simm.s32 $0x15800  }
0x14a: {  	[tilespmem:s17], [sflag:$0x2] =	stream.indirect_vreg.gather [hbm4b:s6+s3], $0x80, v3, vm0, $0xb8;
	[tilespmem:$0x19000] =	vst v63  }
0x14b: {  	v3 =	vld [tilespmem:s12+$0x0];
	_ =	sdelay $0x4  }
0x14c: {  	v63 =	vshrl.u32 v3, $0x3  }
0x14d: {  	v4 =	vmul.u32 $0x30, v63  }
0x14e: {  	v3 =	vand.u32 $0x7, v3  }
0x14f: {  	v3 =	vor.u32 v3, v4  }
0x150: {  	v4 =	vperm.xlane v3, v0;
	_ =	sdelay $0x1  }
0x151: {  	v4 =	vadd.s32 v1, v4;
	_ =	sdelay $0x3  }
0x152: {  	s17 =	simm.s32 $0x16000;
	v3 =	vperm.xlane v3, v2  }
0x153: {  	[tilespmem:s17], [sflag:$0x2] =	stream.indirect_vreg.gather [hbm4b:s2+s3], $0x80, v4, vm0, $0xb8;
	[tilespmem:$0x19000] =	vst v63  }
0x154: {  	v3 =	vadd.s32 v1, v3;
	s17 =	simm.s32 $0x16800  }
0x155: {  	[tilespmem:s17], [sflag:$0x2] =	stream.indirect_vreg.gather [hbm4b:s5+s3], $0x80, v4, vm0, $0xb8;
	[tilespmem:$0x19000] =	vst v63  }
0x156: {  	_ = 	snop  }
0x157: {  	[tilespmem:s25], [sflag:$0x2] =	stream.indirect_vreg.gather [hbm4b:s6+s3], $0x80, v4, vm0, $0xb8;
	[tilespmem:$0x19000] =	vst v63  }
0x158: {  	p0 =	sne.s32 s13, $0x2A000  }
0x159: {  	[tilespmem:s30], [sflag:$0x2] =	stream.indirect_vreg.gather [hbm4b:s2+s3], $0x80, v3, vm0, $0xb8;
	[tilespmem:$0x19000] =	vst v63  }
.Ltmp0:
0x15a: {  	_ = 	snop;
	(pc) =	sbr.rel @p0 .LBB2_2-.Ltmp0, $4  }
0x15b: {  	s8 =	simm.s32 $0x1000  }
0x15c: {  	[tilespmem:s0], [sflag:$0x2] =	stream.indirect_vreg.gather [hbm4b:s5+s3], $0x80, v3, vm0, $0xb8;
	[tilespmem:$0x19000] =	vst v63  }
0x15d: {  	s13 =	sadd.s32 $0x3000, s13;
	s14 =	simm.s32 $0xD000;
	s12 =	sadd.s32 $0x100, s12  }
0x15e: {  	[tilespmem:s15], [sflag:$0x2] =	stream.indirect_vreg.gather [hbm4b:s6+s3], $0x80, v3, vm0, $0xb8;
	[tilespmem:$0x19000] =	vst v63  }
0x15f: {  	_ =	swait.ge [sflag:s7], $0xC000  }
0x160: {  	[sflag:s7] =	ssyncset.done $0x0  }
0x161: {  	s12 =	rddreg [dreg:$0x7];
	[sflag:s7] =	ssyncadd.s32 $0xFFFF4000  }
0x162: {  	[hbm4b:s12+s3] =	stream.linear.scatter [tilespmem:s8], [sflag:$0x3], $0xC000, $0x38;
	[tilespmem:$0x19000] =	vst v63  }
0x163: {  	_ =	swait.ge [sflag:s10], $0xC000  }
0x164: {  	[sflag:s10] =	ssyncset.done $0x0  }
0x165: {  	[sflag:s10] =	ssyncadd.s32 $0xFFFF4000  }
0x166: {  	_ =	swait.ge [sflag:s9], $0xC000  }
0x167: {  	s13 =	simm.s32 $0x1800;
	s30 =	simm.s32 $0x2000;
	[sflag:s9] =	ssyncset.done $0x0  }
0x168: {  	s15 =	simm.s32 $0x2800;
	s25 =	rddreg [dreg:$0x8];
	[sflag:s9] =	ssyncadd.s32 $0xFFFF4000  }
0x169: {  	[hbm4b:s25+s3] =	stream.linear.scatter [tilespmem:s14], [sflag:$0x3], $0xC000, $0x38;
	[tilespmem:$0x19000] =	vst v63  }
0x16a: {  	s16 =	simm.s32 $0x3000;
	s17 =	simm.s32 $0x3800;
	_ =	swait.ge [sflag:s10], $0xC000  }
0x16b: {  	s18 =	simm.s32 $0x4000;
	s19 =	simm.s32 $0x4800;
	s0 =	rddreg [dreg:$0xa]  }
0x16c: {  	s20 =	simm.s32 $0x5000;
	s26 =	rddreg [dreg:$0x9];
	s0 =	sadd.s32 $0x1, s0  }
0x16d: {  	s21 =	simm.s32 $0x5800;
	s22 =	simm.s32 $0x6000;
	p0 =	sne.s32 s0, s26  }
.Ltmp1:
0x16e: {  	s23 =	simm.s32 $0x6800;
	s24 =	simm.s32 $0x7000;
	(pc) =	sbr.rel @p0 .LBB2_1-.Ltmp1, $4  }
0x16f: {  	s28 =	simm.s32 $0x8800;
	s29 =	simm.s32 $0x9000;
	s1 =	simm.s32 $0xA000  }
0x170: {  	s4 =	simm.s32 $0xA800;
	s11 =	simm.s32 $0xB000;
	[sflag:s10] =	ssyncset.done $0x0  }
0x171: {  	s31 =	simm.s32 $0xB800;
	s25 =	simm.s32 $0x7800;
	[sflag:s10] =	ssyncadd.s32 $0xFFFF4000  }
0x172: {  	[dreg:$0xa] =	wrdreg s0;
	s26 =	simm.s32 $0x8000;
	s0 =	simm.s32 $0x9800  }
0x173: {  	_ =	sfence.sel $0x180000  }
0x174: {  	[bflag:$0x0] =	sbarrier.arrive $0xFFFF  }
0x175: {  	_ =	strace $0x90000047  }
0x176: {  	s0 =	stileid.u32;
	[bflag:$0x2] =	sbarrier.arrive $0xFFFF  }
0x177: {  	p0 =	sne.s32 s0, $0x0;
	s0 =	rddreg [dreg:$0x3]  }
0x178: {  	s0 =	sadd.s32 @!p0 $0x100000, s0  }
0x179: {  	[sflag:s0] =	ssyncadd.tile.s32 @!p0 $0x1;
	_ =	shalt  }
.Lfunc_end2:
_tile_overlayer_lowered:
.L_overlay_start_2:
0x17a: {  	(tag) =	ssettag $0x2  }
0x17b: {  	s0 =	rddreg [dreg:$0x0];
	s2 =	stileid.u32  }
0x17c: {  	s1 =	rddreg [dreg:$0x1];
	p0 =	sne.s32 s2, $0x0  }
0x17d: {  	s3 =	rddreg [dreg:$0x2];
	[bflag:$0x3] =	sbarrier.arrive $0xFFFF;
	s2 =	simm.s32 @!p0 $0x1C03  }
0x17e: {  	[timem:s3], [sflag:s2] =	dma.local @!p0 [hbm:s0], s1  }
0x17f: {  	s0 =	simm.s32 @!p0 $0x3  }
0x180: {  	_ =	swait.ge @!p0 [sflag:s0], s1  }
0x181: {  	s1 =	ssub.s32 @!p0 $0x0, s1;
	[sflag:s0] =	ssyncset.done @!p0 $0x0  }
0x182: {  	[sflag:s0] =	ssyncadd.s32 @!p0 s1  }
0x183: {  	[bflag:$0x3] =	sbarrier.arrive $0xFFFF  }
0x184: {  	_ =	shalt  }

</sc_bundles>
